<compile_context>
chip_gen: v7x
topology: tpu7x:2x2x1
jax: 0.10.2.dev20260603
libtpu: 0.0.44.dev20260713+nightly
codegen_flags: <defaults>
</compile_context>

<pallas_src>
import jax
import jax.numpy as jnp
from jax import lax
from jax.experimental import pallas as pl
from jax.experimental.pallas import tpu as pltpu
from jax.experimental.pallas import tpu_sc as plsc

_MAX_TIME_MS = 600000.0
_INV_MAX = 1.0 / _MAX_TIME_MS

_N = 16384
_D = 2048
_L = 16
_KD = _D // _L
_NC = 2
_NS = 16
_NW = _NC * _NS
_ROWS_PER_W = _N // _NW
_CHUNK = 16
_NCHUNK = _ROWS_PER_W // _CHUNK


def _sc_body(t_hbm, w_hbm, b_hbm, out_hbm, t_v, w_v, b_v, obuf, sem0, sem1):
    wid = lax.axis_index("s") * _NC + lax.axis_index("c")
    base = wid * _ROWS_PER_W

    pltpu.make_async_copy(t_hbm.at[pl.ds(base, _ROWS_PER_W)], t_v, sem0).start()
    pltpu.make_async_copy(w_hbm, w_v, sem1).start()
    pltpu.make_async_copy(t_hbm.at[pl.ds(base, _ROWS_PER_W)], t_v, sem0).wait()
    pltpu.make_async_copy(w_hbm, w_v, sem1).wait()
    pltpu.make_async_copy(b_hbm, b_v, sem0).start()
    pltpu.make_async_copy(b_hbm, b_v, sem0).wait()

    sems = (sem0, sem1)

    def compute(c, bix):
        row0 = c * _CHUNK
        t16 = t_v[pl.ds(row0, _L)] * _INV_MAX
        tvals = [t16[r] for r in range(_CHUNK)]

        @plsc.parallel_loop(0, _KD, unroll=4)
        def _kbody(k):
            col = k * _L
            w16 = w_v[pl.ds(col, _L)]
            b16 = b_v[pl.ds(col, _L)]
            for r in range(_CHUNK):
                obuf[bix, r, pl.ds(col, _L)] = tvals[r] * w16 + b16

    def outer(i, carry):
        for bix in range(2):
            c = i * 2 + bix

            @pl.when(c >= 2)
            def _wait(bix=bix, c=c):
                pltpu.make_async_copy(
                    obuf.at[bix],
                    out_hbm.at[pl.ds(base + (c - 2) * _CHUNK, _CHUNK)],
                    sems[bix],
                ).wait()

            compute(c, bix)
            pltpu.make_async_copy(
                obuf.at[bix],
                out_hbm.at[pl.ds(base + c * _CHUNK, _CHUNK)],
                sems[bix],
            ).start()
        return carry

    lax.fori_loop(0, _NCHUNK // 2, outer, 0)

    for bix in range(2):
        c = _NCHUNK - 2 + bix
        pltpu.make_async_copy(
            obuf.at[bix],
            out_hbm.at[pl.ds(base + c * _CHUNK, _CHUNK)],
            sems[bix],
        ).wait()


@jax.jit
def _sc_call(t_flat, w_flat, b_flat):
    mesh = plsc.VectorSubcoreMesh(core_axis_name="c", subcore_axis_name="s")
    run = pl.kernel(
        _sc_body,
        mesh=mesh,
        out_type=jax.ShapeDtypeStruct((_N, _D), jnp.float32),
        scratch_types=[
            pltpu.VMEM((_ROWS_PER_W,), jnp.float32),
            pltpu.VMEM((_D,), jnp.float32),
            pltpu.VMEM((_D,), jnp.float32),
            pltpu.VMEM((2, _CHUNK, _D), jnp.float32),
            pltpu.SemaphoreType.DMA,
            pltpu.SemaphoreType.DMA,
        ],
    )
    return run(t_flat, w_flat, b_flat)


def kernel(timestamps, W, b):
    S, B, _ = timestamps.shape
    t_flat = timestamps.reshape(S * B)
    out = _sc_call(t_flat, W.reshape(_D), b)
    return out.reshape(S, B, _D)

# --- scband reference (transcript-rebuilt; emitter-appended) ---
"""Pipeline reference for scband-timing-encoding-51556787421961 (READ-ONLY COPY).

The authoritative reference and input builder live on the scoring server;
editing this copy changes nothing except your own understanding.
"""

import jax, jax.numpy as jnp
import numpy as np

SEQ = 4096
BATCH = 4
D_MODEL = 2048
MAX_TIME_MS = 600000


def setup_inputs(seed: int = 0) -> dict:
    key = jax.random.key(seed)
    k1, k2, k3 = jax.random.split(key, 3)
    # timestamps in ms; fill='rand' -> uniform [0,1)
    timestamps = jax.random.uniform(k1, (SEQ, BATCH, 1), dtype=jnp.float32)
    # nn.Linear(1, d_model): weight (d_model, 1), bias (d_model,)
    W = jax.random.uniform(k2, (D_MODEL, 1), dtype=jnp.float32, minval=-1.0, maxval=1.0)
    b = jax.random.uniform(k3, (D_MODEL,), dtype=jnp.float32, minval=-1.0, maxval=1.0)
    return {"timestamps": timestamps, "W": W, "b": b}


def reference(timestamps, W, b):
    # bpm is None in this configuration (the bpm branch of the original module
    # has a rank mismatch bug: beat_emb is rank-4 while time_encoding slice is
    # rank-3, so torch.cat would fail). Faithful translation of the bpm=None path.
    normalized_time = timestamps / MAX_TIME_MS              # (S, B, 1)
    time_encoding = jnp.dot(normalized_time, W.T) + b       # (S, B, d_model)
    return time_encoding

if __name__ == "__main__":
    import jax
    _d = setup_inputs()
    print(jax.jit(kernel)(*tuple(_d.values())))

</pallas_src>

<mosaic_0001>
#map = affine_map<(d0, d1) -> (0)>
#map1 = affine_map<(d0, d1) -> (0, 0)>
module attributes {stable_mosaic.version = 14 : i64} {
  func.func @_sc_body(%arg0: i32, %arg1: i32, %arg2: memref<16384xf32, #tpu.memory_space<hbm>>, %arg3: memref<2048xf32, #tpu.memory_space<hbm>>, %arg4: memref<2048xf32, #tpu.memory_space<hbm>>, %arg5: memref<16384x2048xf32, #tpu.memory_space<hbm>>, %arg6: memref<512xf32, #tpu.memory_space<vmem>>, %arg7: memref<2048xf32, #tpu.memory_space<vmem>>, %arg8: memref<2048xf32, #tpu.memory_space<vmem>>, %arg9: memref<2x16x2048xf32, #tpu.memory_space<vmem>>, %arg10: memref<!tpu.dma_semaphore, #tpu.memory_space<semaphore_mem>>, %arg11: memref<!tpu.dma_semaphore, #tpu.memory_space<semaphore_mem>>) attributes {dimension_semantics = [#tpu.dimension_semantics<core_parallel>, #tpu.dimension_semantics<subcore_parallel>], iteration_bounds = array<i64: 2, 16>, scalar_prefetch = 0 : i64, scratch_operands = 6 : i64, tpu.core_type = #tpu.core_type<sc_vector_subcore>, window_params = [{transform_indices = #map}, {transform_indices = #map}, {transform_indices = #map}, {transform_indices = #map1}]} {
    %mul3A = arith.constant 2 : i32
    %mul3A_0 = arith.muli %arg1, %mul3A : i32
    %add3A = arith.addi %mul3A_0, %arg0 : i32
    %mul3A_1 = arith.constant 512 : i32
    %mul3A_2 = arith.muli %add3A, %mul3A_1 : i32
    %dma_start3A = tpu.memref_slice %arg2[%mul3A_2] : memref<16384xf32, #tpu.memory_space<hbm>> -> memref<512xf32, #tpu.memory_space<hbm>>
    %dma_start3A_3 = tpu.memref_slice %arg2[%mul3A_2] : memref<16384xf32, #tpu.memory_space<hbm>> -> memref<512xf32, #tpu.memory_space<hbm>>
    tpu.enqueue_dma source(%dma_start3A_3 : memref<512xf32, #tpu.memory_space<hbm>>) target(%arg6 : memref<512xf32, #tpu.memory_space<vmem>>) target_semaphore(%arg10 : memref<!tpu.dma_semaphore, #tpu.memory_space<semaphore_mem>>)
    tpu.enqueue_dma source(%arg3 : memref<2048xf32, #tpu.memory_space<hbm>>) target(%arg7 : memref<2048xf32, #tpu.memory_space<vmem>>) target_semaphore(%arg11 : memref<!tpu.dma_semaphore, #tpu.memory_space<semaphore_mem>>)
    %dma_wait3A = tpu.memref_slice %arg2[%mul3A_2] : memref<16384xf32, #tpu.memory_space<hbm>> -> memref<512xf32, #tpu.memory_space<hbm>>
    %dma_wait3A_4 = tpu.memref_slice %arg2[%mul3A_2] : memref<16384xf32, #tpu.memory_space<hbm>> -> memref<512xf32, #tpu.memory_space<hbm>>
    tpu.wait_dma2 semaphore(%arg10 : memref<!tpu.dma_semaphore, #tpu.memory_space<semaphore_mem>>) src(%dma_wait3A_4 : memref<512xf32, #tpu.memory_space<hbm>>) dst(%arg6 : memref<512xf32, #tpu.memory_space<vmem>>)
    tpu.wait_dma2 semaphore(%arg11 : memref<!tpu.dma_semaphore, #tpu.memory_space<semaphore_mem>>) src(%arg3 : memref<2048xf32, #tpu.memory_space<hbm>>) dst(%arg7 : memref<2048xf32, #tpu.memory_space<vmem>>)
    tpu.enqueue_dma source(%arg4 : memref<2048xf32, #tpu.memory_space<hbm>>) target(%arg8 : memref<2048xf32, #tpu.memory_space<vmem>>) target_semaphore(%arg10 : memref<!tpu.dma_semaphore, #tpu.memory_space<semaphore_mem>>)
    tpu.wait_dma2 semaphore(%arg10 : memref<!tpu.dma_semaphore, #tpu.memory_space<semaphore_mem>>) src(%arg4 : memref<2048xf32, #tpu.memory_space<hbm>>) dst(%arg8 : memref<2048xf32, #tpu.memory_space<vmem>>)
    %scan3A = arith.constant 0 : i32
    %scan3A_5 = arith.constant 0 : i32
    %scan3A_6 = arith.constant 16 : i32
    %scan3A_7 = arith.addi %scan3A_5, %scan3A_6 : i32
    %scan3A_8 = arith.constant 1 : i32
    scf.for %scan3A_40 = %scan3A_5 to %scan3A_7 step %scan3A_8  : i32 {
      %mul3A_41 = arith.constant 2 : i32
      %mul3A_42 = arith.muli %scan3A_40, %mul3A_41 : i32
      %add3A_43 = arith.constant 0 : i32
      %add3A_44 = arith.addi %mul3A_42, %add3A_43 : i32
      %ge3A = arith.constant 2 : i32
      %ge3A_45 = arith.cmpi sge, %add3A_44, %ge3A : i32
      %convert_element_type3A = arith.extui %ge3A_45 : i1 to i32
      %cond3A = arith.constant 0 : i32
      %cond3A_46 = arith.cmpi ne, %convert_element_type3A, %cond3A : i32
      scf.if %cond3A_46 {
        %sub3A = arith.constant 2 : i32
        %sub3A_170 = arith.subi %add3A_44, %sub3A : i32
        %mul3A_171 = arith.constant 16 : i32
        %mul3A_172 = arith.muli %sub3A_170, %mul3A_171 : i32
        %add3A_173 = arith.addi %mul3A_2, %mul3A_172 : i32
        %dma_wait3A_174 = arith.constant 0 : i32
        %dma_wait3A_175 = arith.constant 0 : i32
        %dma_wait3A_176 = arith.constant 0 : i32
        %dma_wait3A_177 = tpu.memref_slice %arg9[%dma_wait3A_174, %dma_wait3A_175, %dma_wait3A_176] : memref<2x16x2048xf32, #tpu.memory_space<vmem>> -> memref<1x16x2048xf32, #tpu.memory_space<vmem>>
        %dma_wait3A_178 = tpu.memref_squeeze %dma_wait3A_177 : memref<1x16x2048xf32, #tpu.memory_space<vmem>> -> memref<16x2048xf32, #tpu.memory_space<vmem>>
        %dma_wait3A_179 = arith.constant 0 : i32
        %dma_wait3A_180 = tpu.memref_slice %arg5[%add3A_173, %dma_wait3A_179] : memref<16384x2048xf32, #tpu.memory_space<hbm>> -> memref<16x2048xf32, #tpu.memory_space<hbm>>
        %dma_wait3A_181 = arith.constant 0 : i32
        %dma_wait3A_182 = tpu.memref_slice %arg5[%add3A_173, %dma_wait3A_181] : memref<16384x2048xf32, #tpu.memory_space<hbm>> -> memref<16x2048xf32, #tpu.memory_space<hbm>>
        %dma_wait3A_183 = arith.constant 0 : i32
        %dma_wait3A_184 = arith.constant 0 : i32
        %dma_wait3A_185 = tpu.memref_slice %arg9[%dma_wait3A_174, %dma_wait3A_183, %dma_wait3A_184] : memref<2x16x2048xf32, #tpu.memory_space<vmem>> -> memref<1x16x2048xf32, #tpu.memory_space<vmem>>
        %dma_wait3A_186 = tpu.memref_squeeze %dma_wait3A_185 : memref<1x16x2048xf32, #tpu.memory_space<vmem>> -> memref<16x2048xf32, #tpu.memory_space<vmem>>
        tpu.wait_dma2 semaphore(%arg10 : memref<!tpu.dma_semaphore, #tpu.memory_space<semaphore_mem>>) src(%dma_wait3A_186 : memref<16x2048xf32, #tpu.memory_space<vmem>>) dst(%dma_wait3A_182 : memref<16x2048xf32, #tpu.memory_space<hbm>>)
      } else {
      }
      %mul3A_47 = arith.constant 16 : i32
      %mul3A_48 = arith.muli %add3A_44, %mul3A_47 : i32
      %get3A = arith.index_cast %mul3A_48 : i32 to index
      %get3A_49 = tpu.vector_load %arg6[%get3A] {strides = array<i32>} : memref<512xf32, #tpu.memory_space<vmem>>, vector<16xf32>,
      %get3A_50 = vector.shape_cast %get3A_49 : vector<16xf32> to vector<16xf32>
      %mul3A_51 = arith.constant 1.66666666E-6 : f32
      %mul3A_52 = vector.broadcast %mul3A_51 : f32 to vector<16xf32>
      %mul3A_53 = arith.mulf %get3A_50, %mul3A_52 : vector<16xf32>
      %slice3A = vector.extract_strided_slice %mul3A_53 {offsets = [0], sizes = [1], strides = [1]} : vector<16xf32> to vector<1xf32>
      %squeeze3A = vector.extract %slice3A[0] : f32 from vector<1xf32>
      %slice3A_54 = vector.extract_strided_slice %mul3A_53 {offsets = [1], sizes = [1], strides = [1]} : vector<16xf32> to vector<1xf32>
      %squeeze3A_55 = vector.extract %slice3A_54[0] : f32 from vector<1xf32>
      %slice3A_56 = vector.extract_strided_slice %mul3A_53 {offsets = [2], sizes = [1], strides = [1]} : vector<16xf32> to vector<1xf32>
      %squeeze3A_57 = vector.extract %slice3A_56[0] : f32 from vector<1xf32>
      %slice3A_58 = vector.extract_strided_slice %mul3A_53 {offsets = [3], sizes = [1], strides = [1]} : vector<16xf32> to vector<1xf32>
      %squeeze3A_59 = vector.extract %slice3A_58[0] : f32 from vector<1xf32>
      %slice3A_60 = vector.extract_strided_slice %mul3A_53 {offsets = [4], sizes = [1], strides = [1]} : vector<16xf32> to vector<1xf32>
      %squeeze3A_61 = vector.extract %slice3A_60[0] : f32 from vector<1xf32>
      %slice3A_62 = vector.extract_strided_slice %mul3A_53 {offsets = [5], sizes = [1], strides = [1]} : vector<16xf32> to vector<1xf32>
      %squeeze3A_63 = vector.extract %slice3A_62[0] : f32 from vector<1xf32>
      %slice3A_64 = vector.extract_strided_slice %mul3A_53 {offsets = [6], sizes = [1], strides = [1]} : vector<16xf32> to vector<1xf32>
      %squeeze3A_65 = vector.extract %slice3A_64[0] : f32 from vector<1xf32>
      %slice3A_66 = vector.extract_strided_slice %mul3A_53 {offsets = [7], sizes = [1], strides = [1]} : vector<16xf32> to vector<1xf32>
      %squeeze3A_67 = vector.extract %slice3A_66[0] : f32 from vector<1xf32>
      %slice3A_68 = vector.extract_strided_slice %mul3A_53 {offsets = [8], sizes = [1], strides = [1]} : vector<16xf32> to vector<1xf32>
      %squeeze3A_69 = vector.extract %slice3A_68[0] : f32 from vector<1xf32>
      %slice3A_70 = vector.extract_strided_slice %mul3A_53 {offsets = [9], sizes = [1], strides = [1]} : vector<16xf32> to vector<1xf32>
      %squeeze3A_71 = vector.extract %slice3A_70[0] : f32 from vector<1xf32>
      %slice3A_72 = vector.extract_strided_slice %mul3A_53 {offsets = [10], sizes = [1], strides = [1]} : vector<16xf32> to vector<1xf32>
      %squeeze3A_73 = vector.extract %slice3A_72[0] : f32 from vector<1xf32>
      %slice3A_74 = vector.extract_strided_slice %mul3A_53 {offsets = [11], sizes = [1], strides = [1]} : vector<16xf32> to vector<1xf32>
      %squeeze3A_75 = vector.extract %slice3A_74[0] : f32 from vector<1xf32>
      %slice3A_76 = vector.extract_strided_slice %mul3A_53 {offsets = [12], sizes = [1], strides = [1]} : vector<16xf32> to vector<1xf32>
      %squeeze3A_77 = vector.extract %slice3A_76[0] : f32 from vector<1xf32>
      %slice3A_78 = vector.extract_strided_slice %mul3A_53 {offsets = [13], sizes = [1], strides = [1]} : vector<16xf32> to vector<1xf32>
      %squeeze3A_79 = vector.extract %slice3A_78[0] : f32 from vector<1xf32>
      %slice3A_80 = vector.extract_strided_slice %mul3A_53 {offsets = [14], sizes = [1], strides = [1]} : vector<16xf32> to vector<1xf32>
      %squeeze3A_81 = vector.extract %slice3A_80[0] : f32 from vector<1xf32>
      %slice3A_82 = vector.extract_strided_slice %mul3A_53 {offsets = [15], sizes = [1], strides = [1]} : vector<16xf32> to vector<1xf32>
      %squeeze3A_83 = vector.extract %slice3A_82[0] : f32 from vector<1xf32>
      %parallel_loop3A = arith.constant 0 : i32
      %parallel_loop3A_84 = arith.constant 128 : i32
      %parallel_loop3A_85 = arith.constant 1 : i32
      scf.for %parallel_loop3A_170 = %parallel_loop3A to %parallel_loop3A_84 step %parallel_loop3A_85  : i32 {
        %parallel_loop3A_171 = arith.constant 16 : i32
        %parallel_loop3A_172 = arith.muli %parallel_loop3A_170, %parallel_loop3A_171 : i32
        %parallel_loop3A_173 = arith.index_cast %parallel_loop3A_172 : i32 to index
        %parallel_loop3A_174 = tpu.vector_load %arg7[%parallel_loop3A_173] {strides = array<i32>} : memref<2048xf32, #tpu.memory_space<vmem>>, vector<16xf32>,
        %parallel_loop3A_175 = vector.shape_cast %parallel_loop3A_174 : vector<16xf32> to vector<16xf32>
        %parallel_loop3A_176 = arith.index_cast %parallel_loop3A_172 : i32 to index
        %parallel_loop3A_177 = tpu.vector_load %arg8[%parallel_loop3A_176] {strides = array<i32>} : memref<2048xf32, #tpu.memory_space<vmem>>, vector<16xf32>,
        %parallel_loop3A_178 = vector.shape_cast %parallel_loop3A_177 : vector<16xf32> to vector<16xf32>
        %parallel_loop3A_179 = vector.broadcast %squeeze3A : f32 to vector<16xf32>
        %parallel_loop3A_180 = arith.mulf %parallel_loop3A_179, %parallel_loop3A_175 : vector<16xf32>
        %parallel_loop3A_181 = arith.addf %parallel_loop3A_180, %parallel_loop3A_178 : vector<16xf32>
        %parallel_loop3A_182 = arith.constant 0 : i32
        %parallel_loop3A_183 = arith.constant 0 : i32
        %parallel_loop3A_184 = arith.index_cast %parallel_loop3A_182 : i32 to index
        %parallel_loop3A_185 = arith.index_cast %parallel_loop3A_183 : i32 to index
        %parallel_loop3A_186 = arith.index_cast %parallel_loop3A_172 : i32 to index
        %parallel_loop3A_187 = tpu.vector_load %arg9[%parallel_loop3A_184, %parallel_loop3A_185, %parallel_loop3A_186] {strides = array<i32>} : memref<2x16x2048xf32, #tpu.memory_space<vmem>>, vector<1x1x16xf32>,
        %parallel_loop3A_188 = vector.shape_cast %parallel_loop3A_187 : vector<1x1x16xf32> to vector<16xf32>
        %parallel_loop3A_189 = vector.shape_cast %parallel_loop3A_181 : vector<16xf32> to vector<1x1x16xf32>
        tpu.vector_store %arg9[%parallel_loop3A_184, %parallel_loop3A_185, %parallel_loop3A_186], %parallel_loop3A_189 {strides = array<i32>} : memref<2x16x2048xf32, #tpu.memory_space<vmem>>, vector<1x1x16xf32>,
        %parallel_loop3A_190 = vector.broadcast %squeeze3A_55 : f32 to vector<16xf32>
        %parallel_loop3A_191 = arith.mulf %parallel_loop3A_190, %parallel_loop3A_175 : vector<16xf32>
        %parallel_loop3A_192 = arith.addf %parallel_loop3A_191, %parallel_loop3A_178 : vector<16xf32>
        %parallel_loop3A_193 = arith.constant 0 : i32
        %parallel_loop3A_194 = arith.constant 1 : i32
        %parallel_loop3A_195 = arith.index_cast %parallel_loop3A_193 : i32 to index
        %parallel_loop3A_196 = arith.index_cast %parallel_loop3A_194 : i32 to index
        %parallel_loop3A_197 = arith.index_cast %parallel_loop3A_172 : i32 to index
        %parallel_loop3A_198 = tpu.vector_load %arg9[%parallel_loop3A_195, %parallel_loop3A_196, %parallel_loop3A_197] {strides = array<i32>} : memref<2x16x2048xf32, #tpu.memory_space<vmem>>, vector<1x1x16xf32>,
        %parallel_loop3A_199 = vector.shape_cast %parallel_loop3A_198 : vector<1x1x16xf32> to vector<16xf32>
        %parallel_loop3A_200 = vector.shape_cast %parallel_loop3A_192 : vector<16xf32> to vector<1x1x16xf32>
        tpu.vector_store %arg9[%parallel_loop3A_195, %parallel_loop3A_196, %parallel_loop3A_197], %parallel_loop3A_200 {strides = array<i32>} : memref<2x16x2048xf32, #tpu.memory_space<vmem>>, vector<1x1x16xf32>,
        %parallel_loop3A_201 = vector.broadcast %squeeze3A_57 : f32 to vector<16xf32>
        %parallel_loop3A_202 = arith.mulf %parallel_loop3A_201, %parallel_loop3A_175 : vector<16xf32>
        %parallel_loop3A_203 = arith.addf %parallel_loop3A_202, %parallel_loop3A_178 : vector<16xf32>
        %parallel_loop3A_204 = arith.constant 0 : i32
        %parallel_loop3A_205 = arith.constant 2 : i32
        %parallel_loop3A_206 = arith.index_cast %parallel_loop3A_204 : i32 to index
        %parallel_loop3A_207 = arith.index_cast %parallel_loop3A_205 : i32 to index
        %parallel_loop3A_208 = arith.index_cast %parallel_loop3A_172 : i32 to index
        %parallel_loop3A_209 = tpu.vector_load %arg9[%parallel_loop3A_206, %parallel_loop3A_207, %parallel_loop3A_208] {strides = array<i32>} : memref<2x16x2048xf32, #tpu.memory_space<vmem>>, vector<1x1x16xf32>,
        %parallel_loop3A_210 = vector.shape_cast %parallel_loop3A_209 : vector<1x1x16xf32> to vector<16xf32>
        %parallel_loop3A_211 = vector.shape_cast %parallel_loop3A_203 : vector<16xf32> to vector<1x1x16xf32>
        tpu.vector_store %arg9[%parallel_loop3A_206, %parallel_loop3A_207, %parallel_loop3A_208], %parallel_loop3A_211 {strides = array<i32>} : memref<2x16x2048xf32, #tpu.memory_space<vmem>>, vector<1x1x16xf32>,
        %parallel_loop3A_212 = vector.broadcast %squeeze3A_59 : f32 to vector<16xf32>
        %parallel_loop3A_213 = arith.mulf %parallel_loop3A_212, %parallel_loop3A_175 : vector<16xf32>
        %parallel_loop3A_214 = arith.addf %parallel_loop3A_213, %parallel_loop3A_178 : vector<16xf32>
        %parallel_loop3A_215 = arith.constant 0 : i32
        %parallel_loop3A_216 = arith.constant 3 : i32
        %parallel_loop3A_217 = arith.index_cast %parallel_loop3A_215 : i32 to index
        %parallel_loop3A_218 = arith.index_cast %parallel_loop3A_216 : i32 to index
        %parallel_loop3A_219 = arith.index_cast %parallel_loop3A_172 : i32 to index
        %parallel_loop3A_220 = tpu.vector_load %arg9[%parallel_loop3A_217, %parallel_loop3A_218, %parallel_loop3A_219] {strides = array<i32>} : memref<2x16x2048xf32, #tpu.memory_space<vmem>>, vector<1x1x16xf32>,
        %parallel_loop3A_221 = vector.shape_cast %parallel_loop3A_220 : vector<1x1x16xf32> to vector<16xf32>
        %parallel_loop3A_222 = vector.shape_cast %parallel_loop3A_214 : vector<16xf32> to vector<1x1x16xf32>
        tpu.vector_store %arg9[%parallel_loop3A_217, %parallel_loop3A_218, %parallel_loop3A_219], %parallel_loop3A_222 {strides = array<i32>} : memref<2x16x2048xf32, #tpu.memory_space<vmem>>, vector<1x1x16xf32>,
        %parallel_loop3A_223 = vector.broadcast %squeeze3A_61 : f32 to vector<16xf32>
        %parallel_loop3A_224 = arith.mulf %parallel_loop3A_223, %parallel_loop3A_175 : vector<16xf32>
        %parallel_loop3A_225 = arith.addf %parallel_loop3A_224, %parallel_loop3A_178 : vector<16xf32>
        %parallel_loop3A_226 = arith.constant 0 : i32
        %parallel_loop3A_227 = arith.constant 4 : i32
        %parallel_loop3A_228 = arith.index_cast %parallel_loop3A_226 : i32 to index
        %parallel_loop3A_229 = arith.index_cast %parallel_loop3A_227 : i32 to index
        %parallel_loop3A_230 = arith.index_cast %parallel_loop3A_172 : i32 to index
        %parallel_loop3A_231 = tpu.vector_load %arg9[%parallel_loop3A_228, %parallel_loop3A_229, %parallel_loop3A_230] {strides = array<i32>} : memref<2x16x2048xf32, #tpu.memory_space<vmem>>, vector<1x1x16xf32>,
        %parallel_loop3A_232 = vector.shape_cast %parallel_loop3A_231 : vector<1x1x16xf32> to vector<16xf32>
        %parallel_loop3A_233 = vector.shape_cast %parallel_loop3A_225 : vector<16xf32> to vector<1x1x16xf32>
        tpu.vector_store %arg9[%parallel_loop3A_228, %parallel_loop3A_229, %parallel_loop3A_230], %parallel_loop3A_233 {strides = array<i32>} : memref<2x16x2048xf32, #tpu.memory_space<vmem>>, vector<1x1x16xf32>,
        %parallel_loop3A_234 = vector.broadcast %squeeze3A_63 : f32 to vector<16xf32>
        %parallel_loop3A_235 = arith.mulf %parallel_loop3A_234, %parallel_loop3A_175 : vector<16xf32>
        %parallel_loop3A_236 = arith.addf %parallel_loop3A_235, %parallel_loop3A_178 : vector<16xf32>
        %parallel_loop3A_237 = arith.constant 0 : i32
        %parallel_loop3A_238 = arith.constant 5 : i32
        %parallel_loop3A_239 = arith.index_cast %parallel_loop3A_237 : i32 to index
        %parallel_loop3A_240 = arith.index_cast %parallel_loop3A_238 : i32 to index
        %parallel_loop3A_241 = arith.index_cast %parallel_loop3A_172 : i32 to index
        %parallel_loop3A_242 = tpu.vector_load %arg9[%parallel_loop3A_239, %parallel_loop3A_240, %parallel_loop3A_241] {strides = array<i32>} : memref<2x16x2048xf32, #tpu.memory_space<vmem>>, vector<1x1x16xf32>,
        %parallel_loop3A_243 = vector.shape_cast %parallel_loop3A_242 : vector<1x1x16xf32> to vector<16xf32>
        %parallel_loop3A_244 = vector.shape_cast %parallel_loop3A_236 : vector<16xf32> to vector<1x1x16xf32>
        tpu.vector_store %arg9[%parallel_loop3A_239, %parallel_loop3A_240, %parallel_loop3A_241], %parallel_loop3A_244 {strides = array<i32>} : memref<2x16x2048xf32, #tpu.memory_space<vmem>>, vector<1x1x16xf32>,
        %parallel_loop3A_245 = vector.broadcast %squeeze3A_65 : f32 to vector<16xf32>
        %parallel_loop3A_246 = arith.mulf %parallel_loop3A_245, %parallel_loop3A_175 : vector<16xf32>
        %parallel_loop3A_247 = arith.addf %parallel_loop3A_246, %parallel_loop3A_178 : vector<16xf32>
        %parallel_loop3A_248 = arith.constant 0 : i32
        %parallel_loop3A_249 = arith.constant 6 : i32
        %parallel_loop3A_250 = arith.index_cast %parallel_loop3A_248 : i32 to index
        %parallel_loop3A_251 = arith.index_cast %parallel_loop3A_249 : i32 to index
        %parallel_loop3A_252 = arith.index_cast %parallel_loop3A_172 : i32 to index
        %parallel_loop3A_253 = tpu.vector_load %arg9[%parallel_loop3A_250, %parallel_loop3A_251, %parallel_loop3A_252] {strides = array<i32>} : memref<2x16x2048xf32, #tpu.memory_space<vmem>>, vector<1x1x16xf32>,
        %parallel_loop3A_254 = vector.shape_cast %parallel_loop3A_253 : vector<1x1x16xf32> to vector<16xf32>
        %parallel_loop3A_255 = vector.shape_cast %parallel_loop3A_247 : vector<16xf32> to vector<1x1x16xf32>
        tpu.vector_store %arg9[%parallel_loop3A_250, %parallel_loop3A_251, %parallel_loop3A_252], %parallel_loop3A_255 {strides = array<i32>} : memref<2x16x2048xf32, #tpu.memory_space<vmem>>, vector<1x1x16xf32>,
        %parallel_loop3A_256 = vector.broadcast %squeeze3A_67 : f32 to vector<16xf32>
        %parallel_loop3A_257 = arith.mulf %parallel_loop3A_256, %parallel_loop3A_175 : vector<16xf32>
        %parallel_loop3A_258 = arith.addf %parallel_loop3A_257, %parallel_loop3A_178 : vector<16xf32>
        %parallel_loop3A_259 = arith.constant 0 : i32
        %parallel_loop3A_260 = arith.constant 7 : i32
        %parallel_loop3A_261 = arith.index_cast %parallel_loop3A_259 : i32 to index
        %parallel_loop3A_262 = arith.index_cast %parallel_loop3A_260 : i32 to index
        %parallel_loop3A_263 = arith.index_cast %parallel_loop3A_172 : i32 to index
        %parallel_loop3A_264 = tpu.vector_load %arg9[%parallel_loop3A_261, %parallel_loop3A_262, %parallel_loop3A_263] {strides = array<i32>} : memref<2x16x2048xf32, #tpu.memory_space<vmem>>, vector<1x1x16xf32>,
        %parallel_loop3A_265 = vector.shape_cast %parallel_loop3A_264 : vector<1x1x16xf32> to vector<16xf32>
        %parallel_loop3A_266 = vector.shape_cast %parallel_loop3A_258 : vector<16xf32> to vector<1x1x16xf32>
        tpu.vector_store %arg9[%parallel_loop3A_261, %parallel_loop3A_262, %parallel_loop3A_263], %parallel_loop3A_266 {strides = array<i32>} : memref<2x16x2048xf32, #tpu.memory_space<vmem>>, vector<1x1x16xf32>,
        %parallel_loop3A_267 = vector.broadcast %squeeze3A_69 : f32 to vector<16xf32>
        %parallel_loop3A_268 = arith.mulf %parallel_loop3A_267, %parallel_loop3A_175 : vector<16xf32>
        %parallel_loop3A_269 = arith.addf %parallel_loop3A_268, %parallel_loop3A_178 : vector<16xf32>
        %parallel_loop3A_270 = arith.constant 0 : i32
        %parallel_loop3A_271 = arith.constant 8 : i32
        %parallel_loop3A_272 = arith.index_cast %parallel_loop3A_270 : i32 to index
        %parallel_loop3A_273 = arith.index_cast %parallel_loop3A_271 : i32 to index
        %parallel_loop3A_274 = arith.index_cast %parallel_loop3A_172 : i32 to index
        %parallel_loop3A_275 = tpu.vector_load %arg9[%parallel_loop3A_272, %parallel_loop3A_273, %parallel_loop3A_274] {strides = array<i32>} : memref<2x16x2048xf32, #tpu.memory_space<vmem>>, vector<1x1x16xf32>,
        %parallel_loop3A_276 = vector.shape_cast %parallel_loop3A_275 : vector<1x1x16xf32> to vector<16xf32>
        %parallel_loop3A_277 = vector.shape_cast %parallel_loop3A_269 : vector<16xf32> to vector<1x1x16xf32>
        tpu.vector_store %arg9[%parallel_loop3A_272, %parallel_loop3A_273, %parallel_loop3A_274], %parallel_loop3A_277 {strides = array<i32>} : memref<2x16x2048xf32, #tpu.memory_space<vmem>>, vector<1x1x16xf32>,
        %parallel_loop3A_278 = vector.broadcast %squeeze3A_71 : f32 to vector<16xf32>
        %parallel_loop3A_279 = arith.mulf %parallel_loop3A_278, %parallel_loop3A_175 : vector<16xf32>
        %parallel_loop3A_280 = arith.addf %parallel_loop3A_279, %parallel_loop3A_178 : vector<16xf32>
        %parallel_loop3A_281 = arith.constant 0 : i32
        %parallel_loop3A_282 = arith.constant 9 : i32
        %parallel_loop3A_283 = arith.index_cast %parallel_loop3A_281 : i32 to index
        %parallel_loop3A_284 = arith.index_cast %parallel_loop3A_282 : i32 to index
        %parallel_loop3A_285 = arith.index_cast %parallel_loop3A_172 : i32 to index
        %parallel_loop3A_286 = tpu.vector_load %arg9[%parallel_loop3A_283, %parallel_loop3A_284, %parallel_loop3A_285] {strides = array<i32>} : memref<2x16x2048xf32, #tpu.memory_space<vmem>>, vector<1x1x16xf32>,
        %parallel_loop3A_287 = vector.shape_cast %parallel_loop3A_286 : vector<1x1x16xf32> to vector<16xf32>
        %parallel_loop3A_288 = vector.shape_cast %parallel_loop3A_280 : vector<16xf32> to vector<1x1x16xf32>
        tpu.vector_store %arg9[%parallel_loop3A_283, %parallel_loop3A_284, %parallel_loop3A_285], %parallel_loop3A_288 {strides = array<i32>} : memref<2x16x2048xf32, #tpu.memory_space<vmem>>, vector<1x1x16xf32>,
        %parallel_loop3A_289 = vector.broadcast %squeeze3A_73 : f32 to vector<16xf32>
        %parallel_loop3A_290 = arith.mulf %parallel_loop3A_289, %parallel_loop3A_175 : vector<16xf32>
        %parallel_loop3A_291 = arith.addf %parallel_loop3A_290, %parallel_loop3A_178 : vector<16xf32>
        %parallel_loop3A_292 = arith.constant 0 : i32
        %parallel_loop3A_293 = arith.constant 10 : i32
        %parallel_loop3A_294 = arith.index_cast %parallel_loop3A_292 : i32 to index
        %parallel_loop3A_295 = arith.index_cast %parallel_loop3A_293 : i32 to index
        %parallel_loop3A_296 = arith.index_cast %parallel_loop3A_172 : i32 to index
        %parallel_loop3A_297 = tpu.vector_load %arg9[%parallel_loop3A_294, %parallel_loop3A_295, %parallel_loop3A_296] {strides = array<i32>} : memref<2x16x2048xf32, #tpu.memory_space<vmem>>, vector<1x1x16xf32>,
        %parallel_loop3A_298 = vector.shape_cast %parallel_loop3A_297 : vector<1x1x16xf32> to vector<16xf32>
        %parallel_loop3A_299 = vector.shape_cast %parallel_loop3A_291 : vector<16xf32> to vector<1x1x16xf32>
        tpu.vector_store %arg9[%parallel_loop3A_294, %parallel_loop3A_295, %parallel_loop3A_296], %parallel_loop3A_299 {strides = array<i32>} : memref<2x16x2048xf32, #tpu.memory_space<vmem>>, vector<1x1x16xf32>,
        %parallel_loop3A_300 = vector.broadcast %squeeze3A_75 : f32 to vector<16xf32>
        %parallel_loop3A_301 = arith.mulf %parallel_loop3A_300, %parallel_loop3A_175 : vector<16xf32>
        %parallel_loop3A_302 = arith.addf %parallel_loop3A_301, %parallel_loop3A_178 : vector<16xf32>
        %parallel_loop3A_303 = arith.constant 0 : i32
        %parallel_loop3A_304 = arith.constant 11 : i32
        %parallel_loop3A_305 = arith.index_cast %parallel_loop3A_303 : i32 to index
        %parallel_loop3A_306 = arith.index_cast %parallel_loop3A_304 : i32 to index
        %parallel_loop3A_307 = arith.index_cast %parallel_loop3A_172 : i32 to index
        %parallel_loop3A_308 = tpu.vector_load %arg9[%parallel_loop3A_305, %parallel_loop3A_306, %parallel_loop3A_307] {strides = array<i32>} : memref<2x16x2048xf32, #tpu.memory_space<vmem>>, vector<1x1x16xf32>,
        %parallel_loop3A_309 = vector.shape_cast %parallel_loop3A_308 : vector<1x1x16xf32> to vector<16xf32>
        %parallel_loop3A_310 = vector.shape_cast %parallel_loop3A_302 : vector<16xf32> to vector<1x1x16xf32>
        tpu.vector_store %arg9[%parallel_loop3A_305, %parallel_loop3A_306, %parallel_loop3A_307], %parallel_loop3A_310 {strides = array<i32>} : memref<2x16x2048xf32, #tpu.memory_space<vmem>>, vector<1x1x16xf32>,
        %parallel_loop3A_311 = vector.broadcast %squeeze3A_77 : f32 to vector<16xf32>
        %parallel_loop3A_312 = arith.mulf %parallel_loop3A_311, %parallel_loop3A_175 : vector<16xf32>
        %parallel_loop3A_313 = arith.addf %parallel_loop3A_312, %parallel_loop3A_178 : vector<16xf32>
        %parallel_loop3A_314 = arith.constant 0 : i32
        %parallel_loop3A_315 = arith.constant 12 : i32
        %parallel_loop3A_316 = arith.index_cast %parallel_loop3A_314 : i32 to index
        %parallel_loop3A_317 = arith.index_cast %parallel_loop3A_315 : i32 to index
        %parallel_loop3A_318 = arith.index_cast %parallel_loop3A_172 : i32 to index
        %parallel_loop3A_319 = tpu.vector_load %arg9[%parallel_loop3A_316, %parallel_loop3A_317, %parallel_loop3A_318] {strides = array<i32>} : memref<2x16x2048xf32, #tpu.memory_space<vmem>>, vector<1x1x16xf32>,
        %parallel_loop3A_320 = vector.shape_cast %parallel_loop3A_319 : vector<1x1x16xf32> to vector<16xf32>
        %parallel_loop3A_321 = vector.shape_cast %parallel_loop3A_313 : vector<16xf32> to vector<1x1x16xf32>
        tpu.vector_store %arg9[%parallel_loop3A_316, %parallel_loop3A_317, %parallel_loop3A_318], %parallel_loop3A_321 {strides = array<i32>} : memref<2x16x2048xf32, #tpu.memory_space<vmem>>, vector<1x1x16xf32>,
        %parallel_loop3A_322 = vector.broadcast %squeeze3A_79 : f32 to vector<16xf32>
        %parallel_loop3A_323 = arith.mulf %parallel_loop3A_322, %parallel_loop3A_175 : vector<16xf32>
        %parallel_loop3A_324 = arith.addf %parallel_loop3A_323, %parallel_loop3A_178 : vector<16xf32>
        %parallel_loop3A_325 = arith.constant 0 : i32
        %parallel_loop3A_326 = arith.constant 13 : i32
        %parallel_loop3A_327 = arith.index_cast %parallel_loop3A_325 : i32 to index
        %parallel_loop3A_328 = arith.index_cast %parallel_loop3A_326 : i32 to index
        %parallel_loop3A_329 = arith.index_cast %parallel_loop3A_172 : i32 to index
        %parallel_loop3A_330 = tpu.vector_load %arg9[%parallel_loop3A_327, %parallel_loop3A_328, %parallel_loop3A_329] {strides = array<i32>} : memref<2x16x2048xf32, #tpu.memory_space<vmem>>, vector<1x1x16xf32>,
        %parallel_loop3A_331 = vector.shape_cast %parallel_loop3A_330 : vector<1x1x16xf32> to vector<16xf32>
        %parallel_loop3A_332 = vector.shape_cast %parallel_loop3A_324 : vector<16xf32> to vector<1x1x16xf32>
        tpu.vector_store %arg9[%parallel_loop3A_327, %parallel_loop3A_328, %parallel_loop3A_329], %parallel_loop3A_332 {strides = array<i32>} : memref<2x16x2048xf32, #tpu.memory_space<vmem>>, vector<1x1x16xf32>,
        %parallel_loop3A_333 = vector.broadcast %squeeze3A_81 : f32 to vector<16xf32>
        %parallel_loop3A_334 = arith.mulf %parallel_loop3A_333, %parallel_loop3A_175 : vector<16xf32>
        %parallel_loop3A_335 = arith.addf %parallel_loop3A_334, %parallel_loop3A_178 : vector<16xf32>
        %parallel_loop3A_336 = arith.constant 0 : i32
        %parallel_loop3A_337 = arith.constant 14 : i32
        %parallel_loop3A_338 = arith.index_cast %parallel_loop3A_336 : i32 to index
        %parallel_loop3A_339 = arith.index_cast %parallel_loop3A_337 : i32 to index
        %parallel_loop3A_340 = arith.index_cast %parallel_loop3A_172 : i32 to index
        %parallel_loop3A_341 = tpu.vector_load %arg9[%parallel_loop3A_338, %parallel_loop3A_339, %parallel_loop3A_340] {strides = array<i32>} : memref<2x16x2048xf32, #tpu.memory_space<vmem>>, vector<1x1x16xf32>,
        %parallel_loop3A_342 = vector.shape_cast %parallel_loop3A_341 : vector<1x1x16xf32> to vector<16xf32>
        %parallel_loop3A_343 = vector.shape_cast %parallel_loop3A_335 : vector<16xf32> to vector<1x1x16xf32>
        tpu.vector_store %arg9[%parallel_loop3A_338, %parallel_loop3A_339, %parallel_loop3A_340], %parallel_loop3A_343 {strides = array<i32>} : memref<2x16x2048xf32, #tpu.memory_space<vmem>>, vector<1x1x16xf32>,
        %parallel_loop3A_344 = vector.broadcast %squeeze3A_83 : f32 to vector<16xf32>
        %parallel_loop3A_345 = arith.mulf %parallel_loop3A_344, %parallel_loop3A_175 : vector<16xf32>
        %parallel_loop3A_346 = arith.addf %parallel_loop3A_345, %parallel_loop3A_178 : vector<16xf32>
        %parallel_loop3A_347 = arith.constant 0 : i32
        %parallel_loop3A_348 = arith.constant 15 : i32
        %parallel_loop3A_349 = arith.index_cast %parallel_loop3A_347 : i32 to index
        %parallel_loop3A_350 = arith.index_cast %parallel_loop3A_348 : i32 to index
        %parallel_loop3A_351 = arith.index_cast %parallel_loop3A_172 : i32 to index
        %parallel_loop3A_352 = tpu.vector_load %arg9[%parallel_loop3A_349, %parallel_loop3A_350, %parallel_loop3A_351] {strides = array<i32>} : memref<2x16x2048xf32, #tpu.memory_space<vmem>>, vector<1x1x16xf32>,
        %parallel_loop3A_353 = vector.shape_cast %parallel_loop3A_352 : vector<1x1x16xf32> to vector<16xf32>
        %parallel_loop3A_354 = vector.shape_cast %parallel_loop3A_346 : vector<16xf32> to vector<1x1x16xf32>
        tpu.vector_store %arg9[%parallel_loop3A_349, %parallel_loop3A_350, %parallel_loop3A_351], %parallel_loop3A_354 {strides = array<i32>} : memref<2x16x2048xf32, #tpu.memory_space<vmem>>, vector<1x1x16xf32>,
      } {sc.loop_unroll_factor = 4 : i64, sc.parallel_access}
      %mul3A_86 = arith.constant 16 : i32
      %mul3A_87 = arith.muli %add3A_44, %mul3A_86 : i32
      %add3A_88 = arith.addi %mul3A_2, %mul3A_87 : i32
      %dma_start3A_89 = arith.constant 0 : i32
      %dma_start3A_90 = arith.constant 0 : i32
      %dma_start3A_91 = arith.constant 0 : i32
      %dma_start3A_92 = tpu.memref_slice %arg9[%dma_start3A_89, %dma_start3A_90, %dma_start3A_91] : memref<2x16x2048xf32, #tpu.memory_space<vmem>> -> memref<1x16x2048xf32, #tpu.memory_space<vmem>>
      %dma_start3A_93 = tpu.memref_squeeze %dma_start3A_92 : memref<1x16x2048xf32, #tpu.memory_space<vmem>> -> memref<16x2048xf32, #tpu.memory_space<vmem>>
      %dma_start3A_94 = arith.constant 0 : i32
      %dma_start3A_95 = tpu.memref_slice %arg5[%add3A_88, %dma_start3A_94] : memref<16384x2048xf32, #tpu.memory_space<hbm>> -> memref<16x2048xf32, #tpu.memory_space<hbm>>
      %dma_start3A_96 = arith.constant 0 : i32
      %dma_start3A_97 = tpu.memref_slice %arg5[%add3A_88, %dma_start3A_96] : memref<16384x2048xf32, #tpu.memory_space<hbm>> -> memref<16x2048xf32, #tpu.memory_space<hbm>>
      %dma_start3A_98 = arith.constant 0 : i32
      %dma_start3A_99 = arith.constant 0 : i32
      %dma_start3A_100 = tpu.memref_slice %arg9[%dma_start3A_89, %dma_start3A_98, %dma_start3A_99] : memref<2x16x2048xf32, #tpu.memory_space<vmem>> -> memref<1x16x2048xf32, #tpu.memory_space<vmem>>
      %dma_start3A_101 = tpu.memref_squeeze %dma_start3A_100 : memref<1x16x2048xf32, #tpu.memory_space<vmem>> -> memref<16x2048xf32, #tpu.memory_space<vmem>>
      tpu.enqueue_dma source(%dma_start3A_101 : memref<16x2048xf32, #tpu.memory_space<vmem>>) target(%dma_start3A_97 : memref<16x2048xf32, #tpu.memory_space<hbm>>) target_semaphore(%arg10 : memref<!tpu.dma_semaphore, #tpu.memory_space<semaphore_mem>>)
      %mul3A_102 = arith.constant 2 : i32
      %mul3A_103 = arith.muli %scan3A_40, %mul3A_102 : i32
      %add3A_104 = arith.constant 1 : i32
      %add3A_105 = arith.addi %mul3A_103, %add3A_104 : i32
      %ge3A_106 = arith.constant 2 : i32
      %ge3A_107 = arith.cmpi sge, %add3A_105, %ge3A_106 : i32
      %convert_element_type3A_108 = arith.extui %ge3A_107 : i1 to i32
      %cond3A_109 = arith.constant 0 : i32
      %cond3A_110 = arith.cmpi ne, %convert_element_type3A_108, %cond3A_109 : i32
      scf.if %cond3A_110 {
        %sub3A = arith.constant 2 : i32
        %sub3A_170 = arith.subi %add3A_105, %sub3A : i32
        %mul3A_171 = arith.constant 16 : i32
        %mul3A_172 = arith.muli %sub3A_170, %mul3A_171 : i32
        %add3A_173 = arith.addi %mul3A_2, %mul3A_172 : i32
        %dma_wait3A_174 = arith.constant 1 : i32
        %dma_wait3A_175 = arith.constant 0 : i32
        %dma_wait3A_176 = arith.constant 0 : i32
        %dma_wait3A_177 = tpu.memref_slice %arg9[%dma_wait3A_174, %dma_wait3A_175, %dma_wait3A_176] : memref<2x16x2048xf32, #tpu.memory_space<vmem>> -> memref<1x16x2048xf32, #tpu.memory_space<vmem>>
        %dma_wait3A_178 = tpu.memref_squeeze %dma_wait3A_177 : memref<1x16x2048xf32, #tpu.memory_space<vmem>> -> memref<16x2048xf32, #tpu.memory_space<vmem>>
        %dma_wait3A_179 = arith.constant 0 : i32
        %dma_wait3A_180 = tpu.memref_slice %arg5[%add3A_173, %dma_wait3A_179] : memref<16384x2048xf32, #tpu.memory_space<hbm>> -> memref<16x2048xf32, #tpu.memory_space<hbm>>
        %dma_wait3A_181 = arith.constant 0 : i32
        %dma_wait3A_182 = tpu.memref_slice %arg5[%add3A_173, %dma_wait3A_181] : memref<16384x2048xf32, #tpu.memory_space<hbm>> -> memref<16x2048xf32, #tpu.memory_space<hbm>>
        %dma_wait3A_183 = arith.constant 0 : i32
        %dma_wait3A_184 = arith.constant 0 : i32
        %dma_wait3A_185 = tpu.memref_slice %arg9[%dma_wait3A_174, %dma_wait3A_183, %dma_wait3A_184] : memref<2x16x2048xf32, #tpu.memory_space<vmem>> -> memref<1x16x2048xf32, #tpu.memory_space<vmem>>
        %dma_wait3A_186 = tpu.memref_squeeze %dma_wait3A_185 : memref<1x16x2048xf32, #tpu.memory_space<vmem>> -> memref<16x2048xf32, #tpu.memory_space<vmem>>
        tpu.wait_dma2 semaphore(%arg11 : memref<!tpu.dma_semaphore, #tpu.memory_space<semaphore_mem>>) src(%dma_wait3A_186 : memref<16x2048xf32, #tpu.memory_space<vmem>>) dst(%dma_wait3A_182 : memref<16x2048xf32, #tpu.memory_space<hbm>>)
      } else {
      }
      %mul3A_111 = arith.constant 16 : i32
      %mul3A_112 = arith.muli %add3A_105, %mul3A_111 : i32
      %get3A_113 = arith.index_cast %mul3A_112 : i32 to index
      %get3A_114 = tpu.vector_load %arg6[%get3A_113] {strides = array<i32>} : memref<512xf32, #tpu.memory_space<vmem>>, vector<16xf32>,
      %get3A_115 = vector.shape_cast %get3A_114 : vector<16xf32> to vector<16xf32>
      %mul3A_116 = arith.constant 1.66666666E-6 : f32
      %mul3A_117 = vector.broadcast %mul3A_116 : f32 to vector<16xf32>
      %mul3A_118 = arith.mulf %get3A_115, %mul3A_117 : vector<16xf32>
      %slice3A_119 = vector.extract_strided_slice %mul3A_118 {offsets = [0], sizes = [1], strides = [1]} : vector<16xf32> to vector<1xf32>
      %squeeze3A_120 = vector.extract %slice3A_119[0] : f32 from vector<1xf32>
      %slice3A_121 = vector.extract_strided_slice %mul3A_118 {offsets = [1], sizes = [1], strides = [1]} : vector<16xf32> to vector<1xf32>
      %squeeze3A_122 = vector.extract %slice3A_121[0] : f32 from vector<1xf32>
      %slice3A_123 = vector.extract_strided_slice %mul3A_118 {offsets = [2], sizes = [1], strides = [1]} : vector<16xf32> to vector<1xf32>
      %squeeze3A_124 = vector.extract %slice3A_123[0] : f32 from vector<1xf32>
      %slice3A_125 = vector.extract_strided_slice %mul3A_118 {offsets = [3], sizes = [1], strides = [1]} : vector<16xf32> to vector<1xf32>
      %squeeze3A_126 = vector.extract %slice3A_125[0] : f32 from vector<1xf32>
      %slice3A_127 = vector.extract_strided_slice %mul3A_118 {offsets = [4], sizes = [1], strides = [1]} : vector<16xf32> to vector<1xf32>
      %squeeze3A_128 = vector.extract %slice3A_127[0] : f32 from vector<1xf32>
      %slice3A_129 = vector.extract_strided_slice %mul3A_118 {offsets = [5], sizes = [1], strides = [1]} : vector<16xf32> to vector<1xf32>
      %squeeze3A_130 = vector.extract %slice3A_129[0] : f32 from vector<1xf32>
      %slice3A_131 = vector.extract_strided_slice %mul3A_118 {offsets = [6], sizes = [1], strides = [1]} : vector<16xf32> to vector<1xf32>
      %squeeze3A_132 = vector.extract %slice3A_131[0] : f32 from vector<1xf32>
      %slice3A_133 = vector.extract_strided_slice %mul3A_118 {offsets = [7], sizes = [1], strides = [1]} : vector<16xf32> to vector<1xf32>
      %squeeze3A_134 = vector.extract %slice3A_133[0] : f32 from vector<1xf32>
      %slice3A_135 = vector.extract_strided_slice %mul3A_118 {offsets = [8], sizes = [1], strides = [1]} : vector<16xf32> to vector<1xf32>
      %squeeze3A_136 = vector.extract %slice3A_135[0] : f32 from vector<1xf32>
      %slice3A_137 = vector.extract_strided_slice %mul3A_118 {offsets = [9], sizes = [1], strides = [1]} : vector<16xf32> to vector<1xf32>
      %squeeze3A_138 = vector.extract %slice3A_137[0] : f32 from vector<1xf32>
      %slice3A_139 = vector.extract_strided_slice %mul3A_118 {offsets = [10], sizes = [1], strides = [1]} : vector<16xf32> to vector<1xf32>
      %squeeze3A_140 = vector.extract %slice3A_139[0] : f32 from vector<1xf32>
      %slice3A_141 = vector.extract_strided_slice %mul3A_118 {offsets = [11], sizes = [1], strides = [1]} : vector<16xf32> to vector<1xf32>
      %squeeze3A_142 = vector.extract %slice3A_141[0] : f32 from vector<1xf32>
      %slice3A_143 = vector.extract_strided_slice %mul3A_118 {offsets = [12], sizes = [1], strides = [1]} : vector<16xf32> to vector<1xf32>
      %squeeze3A_144 = vector.extract %slice3A_143[0] : f32 from vector<1xf32>
      %slice3A_145 = vector.extract_strided_slice %mul3A_118 {offsets = [13], sizes = [1], strides = [1]} : vector<16xf32> to vector<1xf32>
      %squeeze3A_146 = vector.extract %slice3A_145[0] : f32 from vector<1xf32>
      %slice3A_147 = vector.extract_strided_slice %mul3A_118 {offsets = [14], sizes = [1], strides = [1]} : vector<16xf32> to vector<1xf32>
      %squeeze3A_148 = vector.extract %slice3A_147[0] : f32 from vector<1xf32>
      %slice3A_149 = vector.extract_strided_slice %mul3A_118 {offsets = [15], sizes = [1], strides = [1]} : vector<16xf32> to vector<1xf32>
      %squeeze3A_150 = vector.extract %slice3A_149[0] : f32 from vector<1xf32>
      %parallel_loop3A_151 = arith.constant 0 : i32
      %parallel_loop3A_152 = arith.constant 128 : i32
      %parallel_loop3A_153 = arith.constant 1 : i32
      scf.for %parallel_loop3A_170 = %parallel_loop3A_151 to %parallel_loop3A_152 step %parallel_loop3A_153  : i32 {
        %parallel_loop3A_171 = arith.constant 16 : i32
        %parallel_loop3A_172 = arith.muli %parallel_loop3A_170, %parallel_loop3A_171 : i32
        %parallel_loop3A_173 = arith.index_cast %parallel_loop3A_172 : i32 to index
        %parallel_loop3A_174 = tpu.vector_load %arg7[%parallel_loop3A_173] {strides = array<i32>} : memref<2048xf32, #tpu.memory_space<vmem>>, vector<16xf32>,
        %parallel_loop3A_175 = vector.shape_cast %parallel_loop3A_174 : vector<16xf32> to vector<16xf32>
        %parallel_loop3A_176 = arith.index_cast %parallel_loop3A_172 : i32 to index
        %parallel_loop3A_177 = tpu.vector_load %arg8[%parallel_loop3A_176] {strides = array<i32>} : memref<2048xf32, #tpu.memory_space<vmem>>, vector<16xf32>,
        %parallel_loop3A_178 = vector.shape_cast %parallel_loop3A_177 : vector<16xf32> to vector<16xf32>
        %parallel_loop3A_179 = vector.broadcast %squeeze3A_120 : f32 to vector<16xf32>
        %parallel_loop3A_180 = arith.mulf %parallel_loop3A_179, %parallel_loop3A_175 : vector<16xf32>
        %parallel_loop3A_181 = arith.addf %parallel_loop3A_180, %parallel_loop3A_178 : vector<16xf32>
        %parallel_loop3A_182 = arith.constant 1 : i32
        %parallel_loop3A_183 = arith.constant 0 : i32
        %parallel_loop3A_184 = arith.index_cast %parallel_loop3A_182 : i32 to index
        %parallel_loop3A_185 = arith.index_cast %parallel_loop3A_183 : i32 to index
        %parallel_loop3A_186 = arith.index_cast %parallel_loop3A_172 : i32 to index
        %parallel_loop3A_187 = tpu.vector_load %arg9[%parallel_loop3A_184, %parallel_loop3A_185, %parallel_loop3A_186] {strides = array<i32>} : memref<2x16x2048xf32, #tpu.memory_space<vmem>>, vector<1x1x16xf32>,
        %parallel_loop3A_188 = vector.shape_cast %parallel_loop3A_187 : vector<1x1x16xf32> to vector<16xf32>
        %parallel_loop3A_189 = vector.shape_cast %parallel_loop3A_181 : vector<16xf32> to vector<1x1x16xf32>
        tpu.vector_store %arg9[%parallel_loop3A_184, %parallel_loop3A_185, %parallel_loop3A_186], %parallel_loop3A_189 {strides = array<i32>} : memref<2x16x2048xf32, #tpu.memory_space<vmem>>, vector<1x1x16xf32>,
        %parallel_loop3A_190 = vector.broadcast %squeeze3A_122 : f32 to vector<16xf32>
        %parallel_loop3A_191 = arith.mulf %parallel_loop3A_190, %parallel_loop3A_175 : vector<16xf32>
        %parallel_loop3A_192 = arith.addf %parallel_loop3A_191, %parallel_loop3A_178 : vector<16xf32>
        %parallel_loop3A_193 = arith.constant 1 : i32
        %parallel_loop3A_194 = arith.constant 1 : i32
        %parallel_loop3A_195 = arith.index_cast %parallel_loop3A_193 : i32 to index
        %parallel_loop3A_196 = arith.index_cast %parallel_loop3A_194 : i32 to index
        %parallel_loop3A_197 = arith.index_cast %parallel_loop3A_172 : i32 to index
        %parallel_loop3A_198 = tpu.vector_load %arg9[%parallel_loop3A_195, %parallel_loop3A_196, %parallel_loop3A_197] {strides = array<i32>} : memref<2x16x2048xf32, #tpu.memory_space<vmem>>, vector<1x1x16xf32>,
        %parallel_loop3A_199 = vector.shape_cast %parallel_loop3A_198 : vector<1x1x16xf32> to vector<16xf32>
        %parallel_loop3A_200 = vector.shape_cast %parallel_loop3A_192 : vector<16xf32> to vector<1x1x16xf32>
        tpu.vector_store %arg9[%parallel_loop3A_195, %parallel_loop3A_196, %parallel_loop3A_197], %parallel_loop3A_200 {strides = array<i32>} : memref<2x16x2048xf32, #tpu.memory_space<vmem>>, vector<1x1x16xf32>,
        %parallel_loop3A_201 = vector.broadcast %squeeze3A_124 : f32 to vector<16xf32>
        %parallel_loop3A_202 = arith.mulf %parallel_loop3A_201, %parallel_loop3A_175 : vector<16xf32>
        %parallel_loop3A_203 = arith.addf %parallel_loop3A_202, %parallel_loop3A_178 : vector<16xf32>
        %parallel_loop3A_204 = arith.constant 1 : i32
        %parallel_loop3A_205 = arith.constant 2 : i32
        %parallel_loop3A_206 = arith.index_cast %parallel_loop3A_204 : i32 to index
        %parallel_loop3A_207 = arith.index_cast %parallel_loop3A_205 : i32 to index
        %parallel_loop3A_208 = arith.index_cast %parallel_loop3A_172 : i32 to index
        %parallel_loop3A_209 = tpu.vector_load %arg9[%parallel_loop3A_206, %parallel_loop3A_207, %parallel_loop3A_208] {strides = array<i32>} : memref<2x16x2048xf32, #tpu.memory_space<vmem>>, vector<1x1x16xf32>,
        %parallel_loop3A_210 = vector.shape_cast %parallel_loop3A_209 : vector<1x1x16xf32> to vector<16xf32>
        %parallel_loop3A_211 = vector.shape_cast %parallel_loop3A_203 : vector<16xf32> to vector<1x1x16xf32>
        tpu.vector_store %arg9[%parallel_loop3A_206, %parallel_loop3A_207, %parallel_loop3A_208], %parallel_loop3A_211 {strides = array<i32>} : memref<2x16x2048xf32, #tpu.memory_space<vmem>>, vector<1x1x16xf32>,
        %parallel_loop3A_212 = vector.broadcast %squeeze3A_126 : f32 to vector<16xf32>
        %parallel_loop3A_213 = arith.mulf %parallel_loop3A_212, %parallel_loop3A_175 : vector<16xf32>
        %parallel_loop3A_214 = arith.addf %parallel_loop3A_213, %parallel_loop3A_178 : vector<16xf32>
        %parallel_loop3A_215 = arith.constant 1 : i32
        %parallel_loop3A_216 = arith.constant 3 : i32
        %parallel_loop3A_217 = arith.index_cast %parallel_loop3A_215 : i32 to index
        %parallel_loop3A_218 = arith.index_cast %parallel_loop3A_216 : i32 to index
        %parallel_loop3A_219 = arith.index_cast %parallel_loop3A_172 : i32 to index
        %parallel_loop3A_220 = tpu.vector_load %arg9[%parallel_loop3A_217, %parallel_loop3A_218, %parallel_loop3A_219] {strides = array<i32>} : memref<2x16x2048xf32, #tpu.memory_space<vmem>>, vector<1x1x16xf32>,
        %parallel_loop3A_221 = vector.shape_cast %parallel_loop3A_220 : vector<1x1x16xf32> to vector<16xf32>
        %parallel_loop3A_222 = vector.shape_cast %parallel_loop3A_214 : vector<16xf32> to vector<1x1x16xf32>
        tpu.vector_store %arg9[%parallel_loop3A_217, %parallel_loop3A_218, %parallel_loop3A_219], %parallel_loop3A_222 {strides = array<i32>} : memref<2x16x2048xf32, #tpu.memory_space<vmem>>, vector<1x1x16xf32>,
        %parallel_loop3A_223 = vector.broadcast %squeeze3A_128 : f32 to vector<16xf32>
        %parallel_loop3A_224 = arith.mulf %parallel_loop3A_223, %parallel_loop3A_175 : vector<16xf32>
        %parallel_loop3A_225 = arith.addf %parallel_loop3A_224, %parallel_loop3A_178 : vector<16xf32>
        %parallel_loop3A_226 = arith.constant 1 : i32
        %parallel_loop3A_227 = arith.constant 4 : i32
        %parallel_loop3A_228 = arith.index_cast %parallel_loop3A_226 : i32 to index
        %parallel_loop3A_229 = arith.index_cast %parallel_loop3A_227 : i32 to index
        %parallel_loop3A_230 = arith.index_cast %parallel_loop3A_172 : i32 to index
        %parallel_loop3A_231 = tpu.vector_load %arg9[%parallel_loop3A_228, %parallel_loop3A_229, %parallel_loop3A_230] {strides = array<i32>} : memref<2x16x2048xf32, #tpu.memory_space<vmem>>, vector<1x1x16xf32>,
        %parallel_loop3A_232 = vector.shape_cast %parallel_loop3A_231 : vector<1x1x16xf32> to vector<16xf32>
        %parallel_loop3A_233 = vector.shape_cast %parallel_loop3A_225 : vector<16xf32> to vector<1x1x16xf32>
        tpu.vector_store %arg9[%parallel_loop3A_228, %parallel_loop3A_229, %parallel_loop3A_230], %parallel_loop3A_233 {strides = array<i32>} : memref<2x16x2048xf32, #tpu.memory_space<vmem>>, vector<1x1x16xf32>,
        %parallel_loop3A_234 = vector.broadcast %squeeze3A_130 : f32 to vector<16xf32>
        %parallel_loop3A_235 = arith.mulf %parallel_loop3A_234, %parallel_loop3A_175 : vector<16xf32>
        %parallel_loop3A_236 = arith.addf %parallel_loop3A_235, %parallel_loop3A_178 : vector<16xf32>
        %parallel_loop3A_237 = arith.constant 1 : i32
        %parallel_loop3A_238 = arith.constant 5 : i32
        %parallel_loop3A_239 = arith.index_cast %parallel_loop3A_237 : i32 to index
        %parallel_loop3A_240 = arith.index_cast %parallel_loop3A_238 : i32 to index
        %parallel_loop3A_241 = arith.index_cast %parallel_loop3A_172 : i32 to index
        %parallel_loop3A_242 = tpu.vector_load %arg9[%parallel_loop3A_239, %parallel_loop3A_240, %parallel_loop3A_241] {strides = array<i32>} : memref<2x16x2048xf32, #tpu.memory_space<vmem>>, vector<1x1x16xf32>,
        %parallel_loop3A_243 = vector.shape_cast %parallel_loop3A_242 : vector<1x1x16xf32> to vector<16xf32>
        %parallel_loop3A_244 = vector.shape_cast %parallel_loop3A_236 : vector<16xf32> to vector<1x1x16xf32>
        tpu.vector_store %arg9[%parallel_loop3A_239, %parallel_loop3A_240, %parallel_loop3A_241], %parallel_loop3A_244 {strides = array<i32>} : memref<2x16x2048xf32, #tpu.memory_space<vmem>>, vector<1x1x16xf32>,
        %parallel_loop3A_245 = vector.broadcast %squeeze3A_132 : f32 to vector<16xf32>
        %parallel_loop3A_246 = arith.mulf %parallel_loop3A_245, %parallel_loop3A_175 : vector<16xf32>
        %parallel_loop3A_247 = arith.addf %parallel_loop3A_246, %parallel_loop3A_178 : vector<16xf32>
        %parallel_loop3A_248 = arith.constant 1 : i32
        %parallel_loop3A_249 = arith.constant 6 : i32
        %parallel_loop3A_250 = arith.index_cast %parallel_loop3A_248 : i32 to index
        %parallel_loop3A_251 = arith.index_cast %parallel_loop3A_249 : i32 to index
        %parallel_loop3A_252 = arith.index_cast %parallel_loop3A_172 : i32 to index
        %parallel_loop3A_253 = tpu.vector_load %arg9[%parallel_loop3A_250, %parallel_loop3A_251, %parallel_loop3A_252] {strides = array<i32>} : memref<2x16x2048xf32, #tpu.memory_space<vmem>>, vector<1x1x16xf32>,
        %parallel_loop3A_254 = vector.shape_cast %parallel_loop3A_253 : vector<1x1x16xf32> to vector<16xf32>
        %parallel_loop3A_255 = vector.shape_cast %parallel_loop3A_247 : vector<16xf32> to vector<1x1x16xf32>
        tpu.vector_store %arg9[%parallel_loop3A_250, %parallel_loop3A_251, %parallel_loop3A_252], %parallel_loop3A_255 {strides = array<i32>} : memref<2x16x2048xf32, #tpu.memory_space<vmem>>, vector<1x1x16xf32>,
        %parallel_loop3A_256 = vector.broadcast %squeeze3A_134 : f32 to vector<16xf32>
        %parallel_loop3A_257 = arith.mulf %parallel_loop3A_256, %parallel_loop3A_175 : vector<16xf32>
        %parallel_loop3A_258 = arith.addf %parallel_loop3A_257, %parallel_loop3A_178 : vector<16xf32>
        %parallel_loop3A_259 = arith.constant 1 : i32
        %parallel_loop3A_260 = arith.constant 7 : i32
        %parallel_loop3A_261 = arith.index_cast %parallel_loop3A_259 : i32 to index
        %parallel_loop3A_262 = arith.index_cast %parallel_loop3A_260 : i32 to index
        %parallel_loop3A_263 = arith.index_cast %parallel_loop3A_172 : i32 to index
        %parallel_loop3A_264 = tpu.vector_load %arg9[%parallel_loop3A_261, %parallel_loop3A_262, %parallel_loop3A_263] {strides = array<i32>} : memref<2x16x2048xf32, #tpu.memory_space<vmem>>, vector<1x1x16xf32>,
        %parallel_loop3A_265 = vector.shape_cast %parallel_loop3A_264 : vector<1x1x16xf32> to vector<16xf32>
        %parallel_loop3A_266 = vector.shape_cast %parallel_loop3A_258 : vector<16xf32> to vector<1x1x16xf32>
        tpu.vector_store %arg9[%parallel_loop3A_261, %parallel_loop3A_262, %parallel_loop3A_263], %parallel_loop3A_266 {strides = array<i32>} : memref<2x16x2048xf32, #tpu.memory_space<vmem>>, vector<1x1x16xf32>,
        %parallel_loop3A_267 = vector.broadcast %squeeze3A_136 : f32 to vector<16xf32>
        %parallel_loop3A_268 = arith.mulf %parallel_loop3A_267, %parallel_loop3A_175 : vector<16xf32>
        %parallel_loop3A_269 = arith.addf %parallel_loop3A_268, %parallel_loop3A_178 : vector<16xf32>
        %parallel_loop3A_270 = arith.constant 1 : i32
        %parallel_loop3A_271 = arith.constant 8 : i32
        %parallel_loop3A_272 = arith.index_cast %parallel_loop3A_270 : i32 to index
        %parallel_loop3A_273 = arith.index_cast %parallel_loop3A_271 : i32 to index
        %parallel_loop3A_274 = arith.index_cast %parallel_loop3A_172 : i32 to index
        %parallel_loop3A_275 = tpu.vector_load %arg9[%parallel_loop3A_272, %parallel_loop3A_273, %parallel_loop3A_274] {strides = array<i32>} : memref<2x16x2048xf32, #tpu.memory_space<vmem>>, vector<1x1x16xf32>,
        %parallel_loop3A_276 = vector.shape_cast %parallel_loop3A_275 : vector<1x1x16xf32> to vector<16xf32>
        %parallel_loop3A_277 = vector.shape_cast %parallel_loop3A_269 : vector<16xf32> to vector<1x1x16xf32>
        tpu.vector_store %arg9[%parallel_loop3A_272, %parallel_loop3A_273, %parallel_loop3A_274], %parallel_loop3A_277 {strides = array<i32>} : memref<2x16x2048xf32, #tpu.memory_space<vmem>>, vector<1x1x16xf32>,
        %parallel_loop3A_278 = vector.broadcast %squeeze3A_138 : f32 to vector<16xf32>
        %parallel_loop3A_279 = arith.mulf %parallel_loop3A_278, %parallel_loop3A_175 : vector<16xf32>
        %parallel_loop3A_280 = arith.addf %parallel_loop3A_279, %parallel_loop3A_178 : vector<16xf32>
        %parallel_loop3A_281 = arith.constant 1 : i32
        %parallel_loop3A_282 = arith.constant 9 : i32
        %parallel_loop3A_283 = arith.index_cast %parallel_loop3A_281 : i32 to index
        %parallel_loop3A_284 = arith.index_cast %parallel_loop3A_282 : i32 to index
        %parallel_loop3A_285 = arith.index_cast %parallel_loop3A_172 : i32 to index
        %parallel_loop3A_286 = tpu.vector_load %arg9[%parallel_loop3A_283, %parallel_loop3A_284, %parallel_loop3A_285] {strides = array<i32>} : memref<2x16x2048xf32, #tpu.memory_space<vmem>>, vector<1x1x16xf32>,
        %parallel_loop3A_287 = vector.shape_cast %parallel_loop3A_286 : vector<1x1x16xf32> to vector<16xf32>
        %parallel_loop3A_288 = vector.shape_cast %parallel_loop3A_280 : vector<16xf32> to vector<1x1x16xf32>
        tpu.vector_store %arg9[%parallel_loop3A_283, %parallel_loop3A_284, %parallel_loop3A_285], %parallel_loop3A_288 {strides = array<i32>} : memref<2x16x2048xf32, #tpu.memory_space<vmem>>, vector<1x1x16xf32>,
        %parallel_loop3A_289 = vector.broadcast %squeeze3A_140 : f32 to vector<16xf32>
        %parallel_loop3A_290 = arith.mulf %parallel_loop3A_289, %parallel_loop3A_175 : vector<16xf32>
        %parallel_loop3A_291 = arith.addf %parallel_loop3A_290, %parallel_loop3A_178 : vector<16xf32>
        %parallel_loop3A_292 = arith.constant 1 : i32
        %parallel_loop3A_293 = arith.constant 10 : i32
        %parallel_loop3A_294 = arith.index_cast %parallel_loop3A_292 : i32 to index
        %parallel_loop3A_295 = arith.index_cast %parallel_loop3A_293 : i32 to index
        %parallel_loop3A_296 = arith.index_cast %parallel_loop3A_172 : i32 to index
        %parallel_loop3A_297 = tpu.vector_load %arg9[%parallel_loop3A_294, %parallel_loop3A_295, %parallel_loop3A_296] {strides = array<i32>} : memref<2x16x2048xf32, #tpu.memory_space<vmem>>, vector<1x1x16xf32>,
        %parallel_loop3A_298 = vector.shape_cast %parallel_loop3A_297 : vector<1x1x16xf32> to vector<16xf32>
        %parallel_loop3A_299 = vector.shape_cast %parallel_loop3A_291 : vector<16xf32> to vector<1x1x16xf32>
        tpu.vector_store %arg9[%parallel_loop3A_294, %parallel_loop3A_295, %parallel_loop3A_296], %parallel_loop3A_299 {strides = array<i32>} : memref<2x16x2048xf32, #tpu.memory_space<vmem>>, vector<1x1x16xf32>,
        %parallel_loop3A_300 = vector.broadcast %squeeze3A_142 : f32 to vector<16xf32>
        %parallel_loop3A_301 = arith.mulf %parallel_loop3A_300, %parallel_loop3A_175 : vector<16xf32>
        %parallel_loop3A_302 = arith.addf %parallel_loop3A_301, %parallel_loop3A_178 : vector<16xf32>
        %parallel_loop3A_303 = arith.constant 1 : i32
        %parallel_loop3A_304 = arith.constant 11 : i32
        %parallel_loop3A_305 = arith.index_cast %parallel_loop3A_303 : i32 to index
        %parallel_loop3A_306 = arith.index_cast %parallel_loop3A_304 : i32 to index
        %parallel_loop3A_307 = arith.index_cast %parallel_loop3A_172 : i32 to index
        %parallel_loop3A_308 = tpu.vector_load %arg9[%parallel_loop3A_305, %parallel_loop3A_306, %parallel_loop3A_307] {strides = array<i32>} : memref<2x16x2048xf32, #tpu.memory_space<vmem>>, vector<1x1x16xf32>,
        %parallel_loop3A_309 = vector.shape_cast %parallel_loop3A_308 : vector<1x1x16xf32> to vector<16xf32>
        %parallel_loop3A_310 = vector.shape_cast %parallel_loop3A_302 : vector<16xf32> to vector<1x1x16xf32>
        tpu.vector_store %arg9[%parallel_loop3A_305, %parallel_loop3A_306, %parallel_loop3A_307], %parallel_loop3A_310 {strides = array<i32>} : memref<2x16x2048xf32, #tpu.memory_space<vmem>>, vector<1x1x16xf32>,
        %parallel_loop3A_311 = vector.broadcast %squeeze3A_144 : f32 to vector<16xf32>
        %parallel_loop3A_312 = arith.mulf %parallel_loop3A_311, %parallel_loop3A_175 : vector<16xf32>
        %parallel_loop3A_313 = arith.addf %parallel_loop3A_312, %parallel_loop3A_178 : vector<16xf32>
        %parallel_loop3A_314 = arith.constant 1 : i32
        %parallel_loop3A_315 = arith.constant 12 : i32
        %parallel_loop3A_316 = arith.index_cast %parallel_loop3A_314 : i32 to index
        %parallel_loop3A_317 = arith.index_cast %parallel_loop3A_315 : i32 to index
        %parallel_loop3A_318 = arith.index_cast %parallel_loop3A_172 : i32 to index
        %parallel_loop3A_319 = tpu.vector_load %arg9[%parallel_loop3A_316, %parallel_loop3A_317, %parallel_loop3A_318] {strides = array<i32>} : memref<2x16x2048xf32, #tpu.memory_space<vmem>>, vector<1x1x16xf32>,
        %parallel_loop3A_320 = vector.shape_cast %parallel_loop3A_319 : vector<1x1x16xf32> to vector<16xf32>
        %parallel_loop3A_321 = vector.shape_cast %parallel_loop3A_313 : vector<16xf32> to vector<1x1x16xf32>
        tpu.vector_store %arg9[%parallel_loop3A_316, %parallel_loop3A_317, %parallel_loop3A_318], %parallel_loop3A_321 {strides = array<i32>} : memref<2x16x2048xf32, #tpu.memory_space<vmem>>, vector<1x1x16xf32>,
        %parallel_loop3A_322 = vector.broadcast %squeeze3A_146 : f32 to vector<16xf32>
        %parallel_loop3A_323 = arith.mulf %parallel_loop3A_322, %parallel_loop3A_175 : vector<16xf32>
        %parallel_loop3A_324 = arith.addf %parallel_loop3A_323, %parallel_loop3A_178 : vector<16xf32>
        %parallel_loop3A_325 = arith.constant 1 : i32
        %parallel_loop3A_326 = arith.constant 13 : i32
        %parallel_loop3A_327 = arith.index_cast %parallel_loop3A_325 : i32 to index
        %parallel_loop3A_328 = arith.index_cast %parallel_loop3A_326 : i32 to index
        %parallel_loop3A_329 = arith.index_cast %parallel_loop3A_172 : i32 to index
        %parallel_loop3A_330 = tpu.vector_load %arg9[%parallel_loop3A_327, %parallel_loop3A_328, %parallel_loop3A_329] {strides = array<i32>} : memref<2x16x2048xf32, #tpu.memory_space<vmem>>, vector<1x1x16xf32>,
        %parallel_loop3A_331 = vector.shape_cast %parallel_loop3A_330 : vector<1x1x16xf32> to vector<16xf32>
        %parallel_loop3A_332 = vector.shape_cast %parallel_loop3A_324 : vector<16xf32> to vector<1x1x16xf32>
        tpu.vector_store %arg9[%parallel_loop3A_327, %parallel_loop3A_328, %parallel_loop3A_329], %parallel_loop3A_332 {strides = array<i32>} : memref<2x16x2048xf32, #tpu.memory_space<vmem>>, vector<1x1x16xf32>,
        %parallel_loop3A_333 = vector.broadcast %squeeze3A_148 : f32 to vector<16xf32>
        %parallel_loop3A_334 = arith.mulf %parallel_loop3A_333, %parallel_loop3A_175 : vector<16xf32>
        %parallel_loop3A_335 = arith.addf %parallel_loop3A_334, %parallel_loop3A_178 : vector<16xf32>
        %parallel_loop3A_336 = arith.constant 1 : i32
        %parallel_loop3A_337 = arith.constant 14 : i32
        %parallel_loop3A_338 = arith.index_cast %parallel_loop3A_336 : i32 to index
        %parallel_loop3A_339 = arith.index_cast %parallel_loop3A_337 : i32 to index
        %parallel_loop3A_340 = arith.index_cast %parallel_loop3A_172 : i32 to index
        %parallel_loop3A_341 = tpu.vector_load %arg9[%parallel_loop3A_338, %parallel_loop3A_339, %parallel_loop3A_340] {strides = array<i32>} : memref<2x16x2048xf32, #tpu.memory_space<vmem>>, vector<1x1x16xf32>,
        %parallel_loop3A_342 = vector.shape_cast %parallel_loop3A_341 : vector<1x1x16xf32> to vector<16xf32>
        %parallel_loop3A_343 = vector.shape_cast %parallel_loop3A_335 : vector<16xf32> to vector<1x1x16xf32>
        tpu.vector_store %arg9[%parallel_loop3A_338, %parallel_loop3A_339, %parallel_loop3A_340], %parallel_loop3A_343 {strides = array<i32>} : memref<2x16x2048xf32, #tpu.memory_space<vmem>>, vector<1x1x16xf32>,
        %parallel_loop3A_344 = vector.broadcast %squeeze3A_150 : f32 to vector<16xf32>
        %parallel_loop3A_345 = arith.mulf %parallel_loop3A_344, %parallel_loop3A_175 : vector<16xf32>
        %parallel_loop3A_346 = arith.addf %parallel_loop3A_345, %parallel_loop3A_178 : vector<16xf32>
        %parallel_loop3A_347 = arith.constant 1 : i32
        %parallel_loop3A_348 = arith.constant 15 : i32
        %parallel_loop3A_349 = arith.index_cast %parallel_loop3A_347 : i32 to index
        %parallel_loop3A_350 = arith.index_cast %parallel_loop3A_348 : i32 to index
        %parallel_loop3A_351 = arith.index_cast %parallel_loop3A_172 : i32 to index
        %parallel_loop3A_352 = tpu.vector_load %arg9[%parallel_loop3A_349, %parallel_loop3A_350, %parallel_loop3A_351] {strides = array<i32>} : memref<2x16x2048xf32, #tpu.memory_space<vmem>>, vector<1x1x16xf32>,
        %parallel_loop3A_353 = vector.shape_cast %parallel_loop3A_352 : vector<1x1x16xf32> to vector<16xf32>
        %parallel_loop3A_354 = vector.shape_cast %parallel_loop3A_346 : vector<16xf32> to vector<1x1x16xf32>
        tpu.vector_store %arg9[%parallel_loop3A_349, %parallel_loop3A_350, %parallel_loop3A_351], %parallel_loop3A_354 {strides = array<i32>} : memref<2x16x2048xf32, #tpu.memory_space<vmem>>, vector<1x1x16xf32>,
      } {sc.loop_unroll_factor = 4 : i64, sc.parallel_access}
      %mul3A_154 = arith.constant 16 : i32
      %mul3A_155 = arith.muli %add3A_105, %mul3A_154 : i32
      %add3A_156 = arith.addi %mul3A_2, %mul3A_155 : i32
      %dma_start3A_157 = arith.constant 1 : i32
      %dma_start3A_158 = arith.constant 0 : i32
      %dma_start3A_159 = arith.constant 0 : i32
      %dma_start3A_160 = tpu.memref_slice %arg9[%dma_start3A_157, %dma_start3A_158, %dma_start3A_159] : memref<2x16x2048xf32, #tpu.memory_space<vmem>> -> memref<1x16x2048xf32, #tpu.memory_space<vmem>>
      %dma_start3A_161 = tpu.memref_squeeze %dma_start3A_160 : memref<1x16x2048xf32, #tpu.memory_space<vmem>> -> memref<16x2048xf32, #tpu.memory_space<vmem>>
      %dma_start3A_162 = arith.constant 0 : i32
      %dma_start3A_163 = tpu.memref_slice %arg5[%add3A_156, %dma_start3A_162] : memref<16384x2048xf32, #tpu.memory_space<hbm>> -> memref<16x2048xf32, #tpu.memory_space<hbm>>
      %dma_start3A_164 = arith.constant 0 : i32
      %dma_start3A_165 = tpu.memref_slice %arg5[%add3A_156, %dma_start3A_164] : memref<16384x2048xf32, #tpu.memory_space<hbm>> -> memref<16x2048xf32, #tpu.memory_space<hbm>>
      %dma_start3A_166 = arith.constant 0 : i32
      %dma_start3A_167 = arith.constant 0 : i32
      %dma_start3A_168 = tpu.memref_slice %arg9[%dma_start3A_157, %dma_start3A_166, %dma_start3A_167] : memref<2x16x2048xf32, #tpu.memory_space<vmem>> -> memref<1x16x2048xf32, #tpu.memory_space<vmem>>
      %dma_start3A_169 = tpu.memref_squeeze %dma_start3A_168 : memref<1x16x2048xf32, #tpu.memory_space<vmem>> -> memref<16x2048xf32, #tpu.memory_space<vmem>>
      tpu.enqueue_dma source(%dma_start3A_169 : memref<16x2048xf32, #tpu.memory_space<vmem>>) target(%dma_start3A_165 : memref<16x2048xf32, #tpu.memory_space<hbm>>) target_semaphore(%arg11 : memref<!tpu.dma_semaphore, #tpu.memory_space<semaphore_mem>>)
    }
    %scan3A_9 = arith.constant 16 : i32
    %add3A_10 = arith.constant 480 : i32
    %add3A_11 = arith.addi %mul3A_2, %add3A_10 : i32
    %dma_wait3A_12 = arith.constant 0 : i32
    %dma_wait3A_13 = arith.constant 0 : i32
    %dma_wait3A_14 = arith.constant 0 : i32
    %dma_wait3A_15 = tpu.memref_slice %arg9[%dma_wait3A_12, %dma_wait3A_13, %dma_wait3A_14] : memref<2x16x2048xf32, #tpu.memory_space<vmem>> -> memref<1x16x2048xf32, #tpu.memory_space<vmem>>
    %dma_wait3A_16 = tpu.memref_squeeze %dma_wait3A_15 : memref<1x16x2048xf32, #tpu.memory_space<vmem>> -> memref<16x2048xf32, #tpu.memory_space<vmem>>
    %dma_wait3A_17 = arith.constant 0 : i32
    %dma_wait3A_18 = tpu.memref_slice %arg5[%add3A_11, %dma_wait3A_17] : memref<16384x2048xf32, #tpu.memory_space<hbm>> -> memref<16x2048xf32, #tpu.memory_space<hbm>>
    %dma_wait3A_19 = arith.constant 0 : i32
    %dma_wait3A_20 = tpu.memref_slice %arg5[%add3A_11, %dma_wait3A_19] : memref<16384x2048xf32, #tpu.memory_space<hbm>> -> memref<16x2048xf32, #tpu.memory_space<hbm>>
    %dma_wait3A_21 = arith.constant 0 : i32
    %dma_wait3A_22 = arith.constant 0 : i32
    %dma_wait3A_23 = tpu.memref_slice %arg9[%dma_wait3A_12, %dma_wait3A_21, %dma_wait3A_22] : memref<2x16x2048xf32, #tpu.memory_space<vmem>> -> memref<1x16x2048xf32, #tpu.memory_space<vmem>>
    %dma_wait3A_24 = tpu.memref_squeeze %dma_wait3A_23 : memref<1x16x2048xf32, #tpu.memory_space<vmem>> -> memref<16x2048xf32, #tpu.memory_space<vmem>>
    tpu.wait_dma2 semaphore(%arg10 : memref<!tpu.dma_semaphore, #tpu.memory_space<semaphore_mem>>) src(%dma_wait3A_24 : memref<16x2048xf32, #tpu.memory_space<vmem>>) dst(%dma_wait3A_20 : memref<16x2048xf32, #tpu.memory_space<hbm>>)
    %add3A_25 = arith.constant 496 : i32
    %add3A_26 = arith.addi %mul3A_2, %add3A_25 : i32
    %dma_wait3A_27 = arith.constant 1 : i32
    %dma_wait3A_28 = arith.constant 0 : i32
    %dma_wait3A_29 = arith.constant 0 : i32
    %dma_wait3A_30 = tpu.memref_slice %arg9[%dma_wait3A_27, %dma_wait3A_28, %dma_wait3A_29] : memref<2x16x2048xf32, #tpu.memory_space<vmem>> -> memref<1x16x2048xf32, #tpu.memory_space<vmem>>
    %dma_wait3A_31 = tpu.memref_squeeze %dma_wait3A_30 : memref<1x16x2048xf32, #tpu.memory_space<vmem>> -> memref<16x2048xf32, #tpu.memory_space<vmem>>
    %dma_wait3A_32 = arith.constant 0 : i32
    %dma_wait3A_33 = tpu.memref_slice %arg5[%add3A_26, %dma_wait3A_32] : memref<16384x2048xf32, #tpu.memory_space<hbm>> -> memref<16x2048xf32, #tpu.memory_space<hbm>>
    %dma_wait3A_34 = arith.constant 0 : i32
    %dma_wait3A_35 = tpu.memref_slice %arg5[%add3A_26, %dma_wait3A_34] : memref<16384x2048xf32, #tpu.memory_space<hbm>> -> memref<16x2048xf32, #tpu.memory_space<hbm>>
    %dma_wait3A_36 = arith.constant 0 : i32
    %dma_wait3A_37 = arith.constant 0 : i32
    %dma_wait3A_38 = tpu.memref_slice %arg9[%dma_wait3A_27, %dma_wait3A_36, %dma_wait3A_37] : memref<2x16x2048xf32, #tpu.memory_space<vmem>> -> memref<1x16x2048xf32, #tpu.memory_space<vmem>>
    %dma_wait3A_39 = tpu.memref_squeeze %dma_wait3A_38 : memref<1x16x2048xf32, #tpu.memory_space<vmem>> -> memref<16x2048xf32, #tpu.memory_space<vmem>>
    tpu.wait_dma2 semaphore(%arg11 : memref<!tpu.dma_semaphore, #tpu.memory_space<semaphore_mem>>) src(%dma_wait3A_39 : memref<16x2048xf32, #tpu.memory_space<vmem>>) dst(%dma_wait3A_35 : memref<16x2048xf32, #tpu.memory_space<hbm>>)
    return
  }
}

</mosaic_0001>

<sc_bundles>
// kernel: _sc_call.3.cloned.1.call-start
scs
__scs_entry_jumppad:
0x0: {  	(pc) =	sbr.rel $0x88, $3  }
0x1: {  	(tag) =	ssettag $0x0;
	lr =	simm.s32 $0x1  }
0x2: {  	[smem:$0x3F9E] =	sst lr;
	_ =	strace $0xD0000000  }
0x3: {  	_ = 	snop  }
0x4: {  	_ = 	snop  }
0x5: {  	_ = 	snop  }
0x6: {  	_ = 	snop  }
0x7: {  	_ = 	snop  }
__scs_overlays_trampoline_lowered:
0x8: {  	[smem:$0x3FAD] =	sst s0  }
0x9: {  	[smem:$0x3FAE] =	sst s1  }
0xa: {  	[smem:$0x3FAF] =	sst s2  }
0xb: {  	[smem:$0x3FB0] =	sst s3  }
0xc: {  	[smem:$0x3FB1] =	sst s4  }
0xd: {  	[smem:$0x3FB2] =	sst s5  }
0xe: {  	[smem:$0x3FB3] =	sst s6  }
0xf: {  	[smem:$0x3FB4] =	sst s7  }
0x10: {  	[smem:$0x3FB5] =	sst s8  }
0x11: {  	[smem:$0x3FB6] =	sst s9;
	s0 =	simm.s32 @!p0 $0x0  }
0x12: {  	s1 =	sld [smem:$0x3F9C];
	s0 =	simm.s32 @p0 $0x1  }
0x13: {  	[smem:$0x3FB7] =	sst s0;
	s0 =	simm.s32 @!p1 $0x0  }
0x14: {  	s2 =	sld [smem:$0x3F9B];
	s0 =	simm.s32 @p1 $0x1  }
0x15: {  	[smem:$0x3FB8] =	sst s0;
	s0 =	simm.s32 @!p2 $0x0  }
0x16: {  	s3 =	sld [smem:$0x3FDB];
	s0 =	simm.s32 @p2 $0x1  }
0x17: {  	s4 =	simm.s32 $0x1BF5;
	[smem:$0x3FBA] =	sst s0  }
0x18: {  	s0 =	sld [smem:$0x3F9D];
	_ =	swait.ge [sflag:s4], $0x0  }
0x19: {  	s7 =	sld [smem:$0x3F9E]  }
0x1a: {  	s8 =	sadd.s32 $0xFFFFE003, lr  }
0x1b: {  	s9 =	sadd.s32 $0xFFFFFEF7, lr;
	s5 =	simm.s32 $0xFFFFFFFF;
	p2 =	slt.u32 s8, $0xFFFFF086  }
0x1c: {  	p1 =	slt.u32 s9, $0xF7A;
	s5 =	simm.s32 @!p2 $0x0  }
0x1d: {  	s5 =	simm.s32 @p1 $0x1;
	p0 =	seq.s32 s7, s2  }
0x1e: {  	s7 =	smul.u32 @!p0 $0xF7A, s2;
	p2 =	seq.s32 @!p0 s5, $0x0  }
0x1f: {  	s9 =	smul.u32 $0xF7A, s1;
	s8 =	simm.s32 @!p0 $0x1BF5;
	p2 =	por !p2, p0  }
0x20: {  	[sflag:s8] =	ssyncset.s32 @!p0 $0xFFFFF086;
	s6 =	sadd.s32 @!p0 s3, s7;
	s7 =	simm.s32 @!p0 $0x108  }
0x21: {  	s3 =	sadd.s32 s3, s9;
	s6 =	sadd.s32 @!p0 $0x88, s6;
	s7 =	simm.s32 @p2 $0x1082  }
0x22: {  	[simem:s7], [sflag:s8] =	dma.local @!p0 [hbm:s6], $0xF7A  }
0x23: {  	s9 =	sor.u32 $0xD0000000, s2;
	s6 =	simm.s32 $0x108;
	_ =	swait.ge @!p0 [sflag:s8], $0x0  }
0x24: {  	s3 =	sadd.s32 $0x88, s3;
	s6 =	simm.s32 @!p1 $0x1082;
	[sflag:s4] =	ssyncset.s32 $0xFFFFF086  }
0x25: {  	[simem:s6], [sflag:s4] =	dma.local [hbm:s3], $0xF7A  }
0x26: {  	[smem:$0x3F9E] =	sst s1;
	(tag) =	ssettag s2;
	_ =	strace s9  }
0x27: {  	s1 =	sld [smem:$0x3FAE]  }
0x28: {  	s2 =	sld [smem:$0x3FAF]  }
0x29: {  	s4 =	sld [smem:$0x3FB1]  }
0x2a: {  	p0 =	seq.s32 s5, $0x0;
	s5 =	sld [smem:$0x3FB2]  }
0x2b: {  	s6 =	sld [smem:$0x3FB3]  }
0x2c: {  	s7 =	sld [smem:$0x3FB4]  }
0x2d: {  	s3 =	simm.s32 $0x108;
	s8 =	sld [smem:$0x3FB5]  }
0x2e: {  	s3 =	simm.s32 @!p0 $0x1082;
	s9 =	sld [smem:$0x3FB6]  }
0x2f: {  	lr =	sadd.s32 s0, s3;
	s0 =	sld [smem:$0x3FAD]  }
0x30: {  	s3 =	sld [smem:$0x3FB0]  }
0x31: {  	[smem:$0x3FB9] =	sst s10  }
0x32: {  	s10 =	sld [smem:$0x3FB7];
	_ =	sdelay $0x3  }
0x33: {  	p0 =	seq.s32 s10, $0x1;
	s10 =	sld [smem:$0x3FB9];
	_ =	sdelay $0x3  }
0x34: {  	[smem:$0x3FB9] =	sst s10  }
0x35: {  	s10 =	sld [smem:$0x3FB8];
	_ =	sdelay $0x3  }
0x36: {  	p1 =	seq.s32 s10, $0x1;
	s10 =	sld [smem:$0x3FB9];
	_ =	sdelay $0x3  }
0x37: {  	[smem:$0x3FB9] =	sst s10  }
0x38: {  	s10 =	sld [smem:$0x3FBA]  }
0x39: {  	_ = 	snop;
	(pc) =	sbr.ind lr, $3  }
0x3a: {  	_ = 	snop  }
0x3b: {  	_ = 	snop  }
0x3c: {  	p2 =	seq.s32 s10, $0x1;
	s10 =	sld [smem:$0x3FB9]  }
0x3d: {  	_ =	shalt  }
0x3e: {  	_ =	shalt  }
0x3f: {  	_ =	shalt  }
0x40: {  	_ =	shalt  }
0x41: {  	_ =	shalt  }
0x42: {  	_ =	shalt  }
0x43: {  	_ =	shalt  }
0x44: {  	_ =	shalt  }
0x45: {  	_ =	shalt  }
0x46: {  	_ =	shalt  }
0x47: {  	_ =	shalt  }
0x48: {  	_ =	shalt  }
0x49: {  	_ =	shalt  }
0x4a: {  	_ =	shalt  }
0x4b: {  	_ =	shalt  }
0x4c: {  	_ =	shalt  }
0x4d: {  	_ =	shalt  }
0x4e: {  	_ =	shalt  }
0x4f: {  	_ =	shalt  }
0x50: {  	_ =	shalt  }
0x51: {  	_ =	shalt  }
0x52: {  	_ =	shalt  }
0x53: {  	_ =	shalt  }
0x54: {  	_ =	shalt  }
0x55: {  	_ =	shalt  }
0x56: {  	_ =	shalt  }
0x57: {  	_ =	shalt  }
0x58: {  	_ =	shalt  }
0x59: {  	_ =	shalt  }
0x5a: {  	_ =	shalt  }
0x5b: {  	_ =	shalt  }
0x5c: {  	_ =	shalt  }
0x5d: {  	_ =	shalt  }
0x5e: {  	_ =	shalt  }
0x5f: {  	_ =	shalt  }
0x60: {  	_ =	shalt  }
0x61: {  	_ =	shalt  }
0x62: {  	_ =	shalt  }
0x63: {  	_ =	shalt  }
0x64: {  	_ =	shalt  }
0x65: {  	_ =	shalt  }
0x66: {  	_ =	shalt  }
0x67: {  	_ =	shalt  }
0x68: {  	_ =	shalt  }
0x69: {  	_ =	shalt  }
0x6a: {  	_ =	shalt  }
0x6b: {  	_ =	shalt  }
0x6c: {  	_ =	shalt  }
0x6d: {  	_ =	shalt  }
0x6e: {  	_ =	shalt  }
0x6f: {  	_ =	shalt  }
0x70: {  	_ =	shalt  }
0x71: {  	_ =	shalt  }
0x72: {  	_ =	shalt  }
0x73: {  	_ =	shalt  }
0x74: {  	_ =	shalt  }
0x75: {  	_ =	shalt  }
0x76: {  	_ =	shalt  }
0x77: {  	_ =	shalt  }
0x78: {  	_ =	shalt  }
0x79: {  	_ =	shalt  }
0x7a: {  	_ =	shalt  }
0x7b: {  	_ =	shalt  }
0x7c: {  	_ =	shalt  }
0x7d: {  	_ =	shalt  }
0x7e: {  	_ =	shalt  }
0x7f: {  	_ =	shalt  }
0x80: {  	_ =	shalt  }
0x81: {  	_ =	shalt  }
0x82: {  	_ =	shalt  }
0x83: {  	_ =	shalt  }
0x84: {  	_ =	shalt  }
0x85: {  	_ =	shalt  }
0x86: {  	_ =	shalt  }
0x87: {  	_ =	shalt  }
.Lfunc_end0:
.L_simem_size_0:
called_computation_lowered:
.L_overlay_start_0:
0x88: {  	s2 =	sld [smem:$0x3FD9]  }
0x89: {  	s3 =	sld [smem:$0x3FFE];
	_ =	sdelay $0x1  }
0x8a: {  	s1 =	srdreg.scid  }
0x8b: {  	s0 =	sand.u32 $0x1, s1  }
0x8c: {  	s18 =	sshll.u32 s0, $0xA;
	s2 =	sadd.s32 s3, s2  }
0x8d: {  	s2 =	sadd.s32 s2, s18  }
0x8e: {  	[smem:$0x3FC5] =	sst s2  }
0x8f: {  	_ = 	snop  }
0x90: {  	s2 =	sld [smem:$0x3FC9]  }
0x91: {  	s19 =	sld [smem:$0x3FC8]  }
0x92: {  	s4 =	sld [smem:$0x3FC7]  }
0x93: {  	s5 =	sld [smem:$0x3FD0];
	(tm) =	ssettm $0x1  }
0x94: {  	s6 =	sld [smem:$0x3FFB];
	_ =	sdelay $0x3  }
0x95: {  	_ =	strace s6  }
0x96: {  	s6 =	sld [smem:$0x3FFC];
	_ =	sdelay $0x3  }
0x97: {  	_ =	strace s6  }
0x98: {  	s6 =	sld [smem:$0x3FFD];
	_ =	sdelay $0x3  }
0x99: {  	_ =	strace s6  }
0x9a: {  	_ =	strace $0x8FFFFFFF  }
0x9b: {  	s20 =	sld [smem:$0x3FDB];
	_ =	sdelay $0x1  }
0x9c: {  	s7 =	simm.s32 $_scs_section_size  }
0x9d: {  	s8 =	simm.s32 $_size__tile_overlayer_lowered;
	s9 =	simm.s32 $_tile_overlayer_lowered  }
0x9e: {  	s23 =	simm.s32 $0x1BFF;
	s22 =	sshll.u32 s9, $0x1;
	s6 =	sadd.s32 s7, s20  }
0x9f: {  	s10 =	simm.s32 $0x0;
	s21 =	sshll.u32 s8, $0x1;
	s8 =	sadd.s32 s22, s6  }
0xa0: {  	[timem:s10], [sflag:s23] =	dma.local [hbm:s8], s21  }
0xa1: {  	_ =	swait.ge [sflag:s23], s21  }
0xa2: {  	s7 =	ssub.s32 $0x0, s21;
	[sflag:s23] =	ssyncset.done $0x0  }
0xa3: {  	[sflag:s23] =	ssyncadd.s32 s7;
	_ =	sdelay $0x1  }
0xa4: {  	s24 =	simm.s32 $0x1B8B  }
0xa5: {  	_ =	swait.ge [sflag:s24], $0x1  }
0xa6: {  	[sflag:s24] =	ssyncset.done $0x0  }
0xa7: {  	s25 =	simm.s32 $0x1B8E;
	[sflag:s24] =	ssyncadd.s32 $0xFFFFFFFF  }
0xa8: {  	s26 =	simm.s32 $execute0_lowered;
	[smem:$0x3FD2] =	sst s25  }
0xa9: {  	s7 =	sshll.u32 s26, $0x1;
	_ =	strace $0x80000046;
	[dreg:$0x1] =	wrdreg $0xFFFFFFFF  }
0xaa: {  	s28 =	simm.s32 $_size_execute0_lowered;
	s6 =	sadd.s32 s6, s7;
	[dreg:$0x0] =	wrdreg $0x0  }
0xab: {  	s7 =	sshll.u32 s28, $0x1;
	[dreg:$0x2] =	wrdreg s6  }
0xac: {  	[dreg:$0x3] =	wrdreg s7  }
0xad: {  	[dreg:$0x4] =	wrdreg $0xC0  }
0xae: {  	_ =	task [dreg:s10], $0x5FFFF  }
0xaf: {  	[dreg:$0x1] =	wrdreg $0xFFFFFFFF  }
0xb0: {  	[dreg:$0x0] =	wrdreg $0x60  }
0xb1: {  	[dreg:$0x2] =	wrdreg s2  }
0xb2: {  	[dreg:$0x3] =	wrdreg s19  }
0xb3: {  	[dreg:$0x4] =	wrdreg s4  }
0xb4: {  	[dreg:$0x5] =	wrdreg s5  }
0xb5: {  	[dreg:$0x6] =	wrdreg $0x9  }
0xb6: {  	_ =	task.clear_ibuf [dreg:s10], $0x7FFFF;
	_ =	strace $0x90000046  }
0xb7: {  	s29 =	simm.s32 $0x9;
	_ =	strace $0x80000048  }
0xb8: {  	_ =	swait.ge [sflag:s29], $0x1  }
0xb9: {  	[sflag:s29] =	ssyncadd.s32 $0xFFFFFFFF  }
0xba: {  	_ =	strace $0x90000048  }
0xbb: {  	_ =	sfence  }
0xbc: {  	s30 =	sld [smem:$0x0];
	_ =	sdelay $0x2  }
0xbd: {  	s31 =	sshll.u32 s1, $0xD;
	s1 =	sshrl.u32 s1, $0x2  }
0xbe: {  	s3 =	sand.u32 $0x4000, s31;
	s1 =	sadd.s32 s1, s30  }
0xbf: {  	s0 =	sor.u32 s3, s0;
	s1 =	sshll.u32 s1, $0x11  }
0xc0: {  	s0 =	sor.u32 s1, s0  }
0xc1: {  	s0 =	sadd.s32 $0x8F2B, s0  }
0xc2: {  	[sflag:s0] =	ssyncadd.remote.s32 $0x1  }
0xc3: {  	_ =	sfence.sel $0xFFFF  }
0xc4: {  	[dreg:$0x0] =	wrdreg $0xFFFFFFFF;
	(pc) =	sbr.abs _section_cstart, $3  }
0xc5: {  	[dreg:$0x1] =	wrdreg $0xFFFFFFFF  }
0xc6: {  	_ =	task.clear_ibuf [dreg:s10], $0x2FFFF;
	_ =	strace $0x9FFFFFFF  }
0xc7: {  	(tm) =	ssettm $0x7FFFFFFF  }
tec
execute0_lowered:
.L_overlay_start_1:
0x0: {  	(tag) =	ssettag $0x1  }
0x1: {  	s0 =	rddreg [dreg:$0x0];
	s1 =	srdreg.scid  }
0x2: {  	s4 =	simm.s32 $0x0;
	s3 =	stileid.u32;
	s1 =	sand.u32 $0x1, s1  }
0x3: {  	s3 =	sshll.u32 s3, $0xA;
	s2 =	ssub.s32 $0x2, s1;
	s1 =	sshll.u32 s1, $0x9  }
0x4: {  	[smem:$0x7FF] =	sst s4;
	s3 =	sor.u32 s1, s3  }
0x5: {  	_ =	strace $0x80000047;
	s28 =	sshrl.u32 s2, $0x1;
	s30 =	sshrl.u32 s3, $0x3  }
0x6: {  	s29 =	ssub.s32 s2, s28;
	[smem:$0x7FB] =	sst s3;
	s0 =	sadd.s32 s0, s30  }
0x7: {  	s4 =	simm.s32 $0x2;
	s31 =	smax.u32 s29, $0x1;
	[smem:$0x7FC] =	sst s0  }
0x8: {  	s1 =	simm.s32 $0x0;
	s3 =	simm.s32 $0x1;
	[smem:$0x7FD] =	sst s31  }
.LBB2_1:
0x9: {  	s0 =	sld [smem:$0x7FC];
	_ =	sdelay $0x1  }
0xa: {  	[smem:$0x7FA] =	sst s1;
	s28 =	simm.s32 $0x0  }
0xb: {  	[tilespmem:s28], [sflag:$0x1] =	stream.linear.gather [hbm4b:s0+s28], $0x200, $0x38;
	[tilespmem:$0x11200] =	vst v63  }
0xc: {  	s29 =	rddreg [dreg:$0x1];
	s2 =	simm.s32 $0x200  }
0xd: {  	[tilespmem:s2], [sflag:$0x2] =	stream.linear.gather [hbm4b:s29+s28], $0x800, $0x38;
	[tilespmem:$0x11200] =	vst v63  }
0xe: {  	_ =	swait.ge [sflag:s3], $0x200  }
0xf: {  	[sflag:s3] =	ssyncset.done $0x0  }
0x10: {  	[sflag:s3] =	ssyncadd.s32 $0xFFFFFE00  }
0x11: {  	_ =	swait.ge [sflag:s4], $0x800  }
0x12: {  	[sflag:s4] =	ssyncset.done $0x0  }
0x13: {  	[sflag:s4] =	ssyncadd.s32 $0xFFFFF800  }
0x14: {  	s31 =	simm.s32 $0xA00;
	s30 =	rddreg [dreg:$0x2]  }
0x15: {  	[tilespmem:s31], [sflag:$0x1] =	stream.linear.gather [hbm4b:s30+s28], $0x800, $0x38;
	[tilespmem:$0x11200] =	vst v63  }
0x16: {  	_ =	swait.ge [sflag:s3], $0x800  }
0x17: {  	[sflag:s3] =	ssyncset.done $0x0  }
0x18: {  	s1 =	simm.s32 $0x0;
	[sflag:s3] =	ssyncadd.s32 $0xFFFFF800  }
.LBB2_2:
0x19: {  	p0 =	seq.s32 s1, $0x0  }
0x1a: {  	s0 =	simm.s32 @!p0 $0x1  }
0x1b: {  	_ =	swait.ge @!p0 [sflag:s0], $0x8000  }
0x1c: {  	[sflag:s0] =	ssyncset.done @!p0 $0x0  }
0x1d: {  	s18 =	sshll.u32 s1, $0x5;
	[sflag:s0] =	ssyncadd.s32 @!p0 $0xFFFF8000  }
0x1e: {  	s17 =	simm.s32 $0x0;
	v0 =	vld [tilespmem:s18+$0x0]  }
0x1f: {  	s0 =	sand.u32 $0x40, s17  }
0x20: {  	s9 =	sand.u32 $0x780, s17;
	[smem:$0x7F8] =	sst s1;
	s11 =	sor.u32 $0x30, s0  }
0x21: {  	[smem:$0x7F9] =	sst s18;
	s19 =	sor.u32 s9, s11  }
0x22: {  	v16 =	vld [tilespmem:s19+$0x200]  }
0x23: {  	v15 =	vmul.f32 $1.666666660e-06, v0  }
0x24: {  	v17 =	vld [tilespmem:s19+$0xA00]  }
0x25: {  	v0 =	vbroadcast v15, $0x0  }
0x26: {  	v1 =	vbroadcast v15, $0x1  }
0x27: {  	v2 =	vbroadcast v15, $0x2;
	v5 =	vmul.f32 v16, v0  }
0x28: {  	s6 =	sand.u32 $0x3C00, s17;
	v3 =	vbroadcast v15, $0x3;
	v6 =	vmul.f32 v16, v1  }
0x29: {  	p1 =	por $0x0, $0x0;
	s2 =	simm.s32 $0x1;
	s1 =	sadd.s32 $0x1200, s6;
	v4 =	vbroadcast v15, $0x4;
	v8 =	vmul.f32 v16, v2;
	v7 =	vadd.f32 v17, v5  }
0x2a: {  	s2 =	simm.s32 @!p1 $0x0;
	s3 =	sor.u32 s11, s1;
	v10 =	vmul.f32 v16, v3;
	v5 =	vbroadcast v15, $0x5;
	v9 =	vadd.f32 v17, v6  }
0x2b: {  	s2 =	sshll.u32 s2, $0x6;
	v12 =	vmul.f32 v16, v4;
	v6 =	vbroadcast v15, $0x6;
	v11 =	vadd.f32 v17, v8;
	[tilespmem:s3+$0x0] =	vst v7  }
0x2c: {  	s8 =	sadd.s32 $0x0, s2;
	v10 =	vadd.f32 v17, v10;
	v7 =	vbroadcast v15, $0x7;
	[tilespmem:s3+$0x80] =	vst v9;
	v13 =	vmul.f32 v16, v5  }
0x2d: {  	s4 =	sadd.s32 $0x30, s8;
	v8 =	vbroadcast v15, $0x8;
	[tilespmem:s3+$0x100] =	vst v11;
	v11 =	vadd.f32 v17, v12;
	v12 =	vmul.f32 v16, v6  }
0x2e: {  	s20 =	sor.u32 $0x200, s4;
	v9 =	vbroadcast v15, $0x9;
	[tilespmem:s3+$0x180] =	vst v10;
	v13 =	vadd.f32 v17, v13;
	v14 =	vmul.f32 v16, v7  }
0x2f: {  	s21 =	sor.u32 $0x280, s4;
	v10 =	vbroadcast v15, $0xA;
	v19 =	vmul.f32 v16, v8;
	[tilespmem:s20+$0x1200] =	vst v11;
	v18 =	vadd.f32 v17, v12  }
0x30: {  	s10 =	sor.u32 $0x10, s0;
	s22 =	sor.u32 $0x300, s4;
	v11 =	vbroadcast v15, $0xB;
	v20 =	vmul.f32 v16, v9;
	[tilespmem:s21+$0x1200] =	vst v13;
	v14 =	vadd.f32 v17, v14  }
0x31: {  	s2 =	sadd.s32 $0x5200, s6;
	s4 =	sor.u32 $0x380, s4;
	s5 =	sor.u32 s9, s10;
	v12 =	vbroadcast v15, $0xC;
	[tilespmem:s22+$0x1200] =	vst v18;
	v18 =	vadd.f32 v17, v19;
	v19 =	vmul.f32 v16, v10  }
0x32: {  	s23 =	sor.u32 s11, s2;
	v21 =	vld [tilespmem:s5+$0x200];
	s3 =	sadd.s32 $0x5280, s6;
	v13 =	vbroadcast v15, $0xD;
	v20 =	vadd.f32 v17, v20;
	v22 =	vmul.f32 v16, v11;
	[tilespmem:s4+$0x1200] =	vst v14  }
0x33: {  	s7 =	sadd.s32 $0x5300, s6;
	s12 =	sor.u32 s11, s3;
	v14 =	vbroadcast v15, $0xE;
	[tilespmem:s23+$0x0] =	vst v18;
	v18 =	vadd.f32 v17, v19;
	v19 =	vmul.f32 v16, v12  }
0x34: {  	s24 =	sor.u32 s11, s7;
	v23 =	vld [tilespmem:s5+$0xA00];
	v15 =	vbroadcast v15, $0xF;
	s4 =	sadd.s32 $0x5380, s6;
	[tilespmem:s12+$0x0] =	vst v20;
	v20 =	vadd.f32 v17, v22;
	v22 =	vmul.f32 v16, v13  }
0x35: {  	s15 =	sadd.s32 $0x5400, s6;
	s25 =	sor.u32 s11, s4;
	[tilespmem:s24+$0x0] =	vst v18;
	v18 =	vadd.f32 v17, v19;
	v19 =	vmul.f32 v16, v14  }
0x36: {  	s26 =	sor.u32 s11, s15;
	s5 =	sadd.s32 $0x5480, s6;
	v16 =	vmul.f32 v16, v15;
	[tilespmem:s25+$0x0] =	vst v20;
	v20 =	vadd.f32 v17, v22  }
0x37: {  	s13 =	sadd.s32 $0x5500, s6;
	s30 =	sor.u32 s11, s5;
	v22 =	vmul.f32 v21, v0;
	[tilespmem:s26+$0x0] =	vst v18;
	v18 =	vadd.f32 v17, v19  }
0x38: {  	s14 =	sadd.s32 $0x5580, s6;
	s31 =	sor.u32 s11, s13;
	v19 =	vmul.f32 v21, v1;
	v16 =	vadd.f32 v17, v16;
	[tilespmem:s30+$0x0] =	vst v20  }
0x39: {  	s12 =	sor.u32 s11, s14;
	v17 =	vmul.f32 v21, v2;
	v20 =	vadd.f32 v23, v22;
	[tilespmem:s31+$0x0] =	vst v18  }
0x3a: {  	s16 =	sor.u32 s10, s1;
	v18 =	vmul.f32 v21, v3;
	v19 =	vadd.f32 v23, v19;
	[tilespmem:s12+$0x0] =	vst v16  }
0x3b: {  	v17 =	vadd.f32 v23, v17;
	v16 =	vmul.f32 v21, v4;
	[tilespmem:s16+$0x0] =	vst v20  }
0x3c: {  	v20 =	vmul.f32 v21, v5;
	[tilespmem:s16+$0x80] =	vst v19;
	v18 =	vadd.f32 v23, v18  }
0x3d: {  	s18 =	sadd.s32 $0x10, s8;
	v19 =	vmul.f32 v21, v6;
	[tilespmem:s16+$0x100] =	vst v17;
	v16 =	vadd.f32 v23, v16  }
0x3e: {  	s19 =	sor.u32 $0x200, s18;
	v17 =	vmul.f32 v21, v7;
	[tilespmem:s16+$0x180] =	vst v18;
	v18 =	vadd.f32 v23, v20  }
0x3f: {  	s16 =	sor.u32 $0x280, s18;
	v20 =	vmul.f32 v21, v8;
	[tilespmem:s19+$0x1200] =	vst v16;
	v16 =	vadd.f32 v23, v19  }
0x40: {  	s20 =	sor.u32 $0x300, s18;
	s11 =	sor.u32 $0x20, s0;
	v17 =	vadd.f32 v23, v17;
	[tilespmem:s16+$0x1200] =	vst v18;
	v18 =	vmul.f32 v21, v9  }
0x41: {  	s6 =	sor.u32 $0x380, s18;
	s9 =	sor.u32 s9, s11;
	v19 =	vmul.f32 v21, v10;
	v20 =	vadd.f32 v23, v20;
	[tilespmem:s20+$0x1200] =	vst v16  }
0x42: {  	s21 =	sor.u32 s10, s2;
	v22 =	vld [tilespmem:s9+$0x200];
	v16 =	vmul.f32 v21, v11;
	v18 =	vadd.f32 v23, v18;
	[tilespmem:s6+$0x1200] =	vst v17  }
0x43: {  	s22 =	sor.u32 s10, s3;
	v19 =	vadd.f32 v23, v19;
	v17 =	vmul.f32 v21, v12;
	[tilespmem:s21+$0x0] =	vst v20  }
0x44: {  	v24 =	vmul.f32 v21, v13;
	s23 =	sor.u32 s10, s7;
	v20 =	vld [tilespmem:s9+$0xA00];
	v16 =	vadd.f32 v23, v16;
	[tilespmem:s22+$0x0] =	vst v18  }
0x45: {  	s24 =	sor.u32 s10, s4;
	v18 =	vmul.f32 v21, v14;
	v17 =	vadd.f32 v23, v17;
	[tilespmem:s23+$0x0] =	vst v19  }
0x46: {  	s25 =	sor.u32 s10, s15;
	v19 =	vmul.f32 v21, v15;
	v21 =	vadd.f32 v23, v24;
	[tilespmem:s24+$0x0] =	vst v16  }
0x47: {  	s26 =	sor.u32 s10, s5;
	v16 =	vmul.f32 v22, v0;
	v18 =	vadd.f32 v23, v18;
	[tilespmem:s25+$0x0] =	vst v17  }
0x48: {  	s30 =	sor.u32 s10, s13;
	v17 =	vmul.f32 v22, v1;
	v19 =	vadd.f32 v23, v19;
	[tilespmem:s26+$0x0] =	vst v21  }
0x49: {  	s31 =	sor.u32 s10, s14;
	v21 =	vmul.f32 v22, v2;
	v16 =	vadd.f32 v20, v16;
	[tilespmem:s30+$0x0] =	vst v18  }
0x4a: {  	s10 =	sor.u32 s11, s1;
	v18 =	vmul.f32 v22, v3;
	v17 =	vadd.f32 v20, v17;
	[tilespmem:s31+$0x0] =	vst v19  }
0x4b: {  	v19 =	vmul.f32 v22, v4;
	v21 =	vadd.f32 v20, v21;
	[tilespmem:s10+$0x0] =	vst v16  }
0x4c: {  	v16 =	vmul.f32 v22, v5;
	v18 =	vadd.f32 v20, v18;
	[tilespmem:s10+$0x80] =	vst v17  }
0x4d: {  	s12 =	sadd.s32 $0x20, s8;
	v17 =	vmul.f32 v22, v6;
	v19 =	vadd.f32 v20, v19;
	[tilespmem:s10+$0x100] =	vst v21  }
0x4e: {  	s16 =	sor.u32 $0x200, s12;
	v21 =	vmul.f32 v22, v7;
	v16 =	vadd.f32 v20, v16;
	[tilespmem:s10+$0x180] =	vst v18  }
0x4f: {  	s18 =	sor.u32 $0x280, s12;
	v18 =	vmul.f32 v22, v8;
	v17 =	vadd.f32 v20, v17;
	[tilespmem:s16+$0x1200] =	vst v19  }
0x50: {  	s19 =	sor.u32 $0x300, s12;
	v19 =	vmul.f32 v22, v9;
	v21 =	vadd.f32 v20, v21;
	[tilespmem:s18+$0x1200] =	vst v16  }
0x51: {  	s6 =	sor.u32 $0x380, s12;
	s24 =	simm.s32 $0x200;
	v23 =	vmul.f32 v22, v10;
	v18 =	vadd.f32 v20, v18;
	[tilespmem:s19+$0x1200] =	vst v17  }
0x52: {  	s20 =	sor.u32 s11, s2;
	v16 =	vld [tilespmem:s24+$0x0];
	v17 =	vmul.f32 v22, v11;
	v62 =	vadd.f32 v20, v19;
	[tilespmem:s6+$0x1200] =	vst v21  }
0x53: {  	s28 =	simm.s32 $0xA00;
	s21 =	sor.u32 s11, s3;
	v23 =	vadd.f32 v20, v23;
	v21 =	vmul.f32 v22, v12;
	[tilespmem:s20+$0x0] =	vst v18  }
0x54: {  	s22 =	sor.u32 s11, s7;
	v19 =	vld [tilespmem:s28+$0x0];
	v18 =	vmul.f32 v22, v13;
	v17 =	vadd.f32 v20, v17;
	[tilespmem:s21+$0x0] =	vst v62  }
0x55: {  	v63 =	vmul.f32 v22, v14;
	s23 =	sor.u32 s11, s4;
	v21 =	vadd.f32 v20, v21;
	[tilespmem:s22+$0x0] =	vst v23  }
0x56: {  	s25 =	sor.u32 s11, s15;
	v22 =	vmul.f32 v22, v15;
	v18 =	vadd.f32 v20, v18;
	[tilespmem:s23+$0x0] =	vst v17  }
0x57: {  	s26 =	sor.u32 s11, s5;
	v23 =	vmul.f32 v16, v0;
	v17 =	vadd.f32 v20, v63;
	[tilespmem:s25+$0x0] =	vst v21  }
0x58: {  	s30 =	sor.u32 s11, s13;
	v20 =	vadd.f32 v20, v22;
	v21 =	vmul.f32 v16, v1;
	[tilespmem:s26+$0x0] =	vst v18  }
0x59: {  	s31 =	sor.u32 s11, s14;
	v22 =	vmul.f32 v16, v2;
	v18 =	vadd.f32 v19, v23;
	[tilespmem:s30+$0x0] =	vst v17  }
0x5a: {  	s29 =	sor.u32 s0, s2;
	s1 =	sor.u32 s0, s1;
	s2 =	sor.u32 s0, s15;
	v17 =	vadd.f32 v19, v21;
	v21 =	vmul.f32 v16, v3;
	[tilespmem:s31+$0x0] =	vst v20  }
0x5b: {  	s16 =	sor.u32 $0x200, s8;
	s19 =	sor.u32 $0x280, s8;
	s6 =	sor.u32 s0, s13;
	[tilespmem:s1+$0x0] =	vst v18;
	v18 =	vadd.f32 v19, v22  }
0x5c: {  	s13 =	sor.u32 $0x300, s8;
	s20 =	sor.u32 s0, s3;
	s3 =	sor.u32 s0, s5;
	v20 =	vmul.f32 v16, v4;
	v22 =	vmul.f32 v16, v5;
	[tilespmem:s1+$0x80] =	vst v17;
	v17 =	vadd.f32 v19, v21  }
0x5d: {  	s5 =	sor.u32 s0, s14;
	s14 =	sor.u32 $0x380, s8;
	s21 =	simm.s32 $0x0;
	v21 =	vmul.f32 v16, v6;
	[tilespmem:s1+$0x100] =	vst v18  }
0x5e: {  	s22 =	simm.s32 $0x40;
	s23 =	sor.u32 s0, s7;
	s7 =	sor.u32 s0, s4;
	v20 =	vadd.f32 v19, v20;
	v18 =	vmul.f32 v16, v7;
	[tilespmem:s1+$0x180] =	vst v17;
	v17 =	vadd.f32 v19, v22  }
.LBB2_3:
0x5f: {  	s30 =	sand.u32 $0x40, s22  }
0x60: {  	s0 =	sand.u32 $0x780, s22;
	[tilespmem:s16+$0x1200] =	vst v20;
	v20 =	vadd.f32 v19, v21;
	v21 =	vmul.f32 v16, v8;
	s15 =	sor.u32 $0x30, s30  }
0x61: {  	s25 =	sor.u32 $0x10, s30;
	[tilespmem:s19+$0x1200] =	vst v17;
	s4 =	sor.u32 s0, s15  }
0x62: {  	s1 =	sor.u32 s0, s25;
	[tilespmem:s13+$0x1200] =	vst v20;
	v20 =	vadd.f32 v19, v21;
	v21 =	vld [tilespmem:s4+$0x200]  }
0x63: {  	v22 =	vld [tilespmem:s1+$0x200]  }
0x64: {  	v23 =	vmul.f32 v16, v10  }
0x65: {  	v24 =	vmul.f32 v16, v12;
	v17 =	vadd.f32 v19, v18;
	v18 =	vmul.f32 v16, v9  }
0x66: {  	v26 =	vmul.f32 v16, v13;
	v37 =	vmul.f32 v16, v14  }
0x67: {  	v39 =	vmul.f32 v16, v15;
	[tilespmem:s14+$0x1200] =	vst v17;
	v17 =	vadd.f32 v19, v18;
	v18 =	vmul.f32 v16, v11  }
0x68: {  	v23 =	vadd.f32 v19, v23;
	[tilespmem:s29+$0x0] =	vst v20;
	v20 =	vld [tilespmem:s4+$0xA00];
	v28 =	vmul.f32 v21, v0;
	v27 =	vmul.f32 v22, v0  }
0x69: {  	v38 =	vadd.f32 v19, v26;
	v40 =	vmul.f32 v21, v1;
	v29 =	vmul.f32 v21, v2  }
0x6a: {  	[tilespmem:s20+$0x0] =	vst v17;
	v25 =	vadd.f32 v19, v18;
	v30 =	vmul.f32 v21, v3;
	v44 =	vmul.f32 v21, v4  }
0x6b: {  	p1 =	por !p1, !p1;
	s8 =	sor.u32 $0x20, s30;
	v17 =	vld [tilespmem:s1+$0xA00];
	s1 =	simm.s32 $0x1;
	[tilespmem:s23+$0x0] =	vst v23;
	v23 =	vadd.f32 v19, v24;
	v31 =	vmul.f32 v21, v5;
	v33 =	vmul.f32 v21, v6  }
0x6c: {  	s0 =	sor.u32 s0, s8;
	v41 =	vadd.f32 v19, v39;
	s1 =	simm.s32 @!p1 $0x0;
	[tilespmem:s7+$0x0] =	vst v25;
	v47 =	vmul.f32 v21, v7;
	v49 =	vmul.f32 v21, v8  }
0x6d: {  	s17 =	sadd.s32 $0x200, s17;
	v16 =	vld [tilespmem:s0+$0xA00];
	s1 =	sshll.u32 s1, $0x6;
	v51 =	vmul.f32 v21, v9;
	[tilespmem:s2+$0x0] =	vst v23;
	v23 =	vadd.f32 v19, v37;
	v42 =	vadd.f32 v20, v28  }
0x6e: {  	v18 =	vld [tilespmem:s0+$0x200];
	v53 =	vmul.f32 v21, v10;
	s2 =	sand.u32 $0x3C00, s17;
	s0 =	sadd.s32 s1, s17;
	v24 =	vadd.f32 v20, v40;
	v43 =	vadd.f32 v20, v29  }
0x6f: {  	v55 =	vmul.f32 v21, v11;
	[tilespmem:s3+$0x0] =	vst v38;
	s19 =	sadd.s32 $0x1200, s2;
	v30 =	vadd.f32 v20, v30;
	s1 =	sadd.s32 $0x10, s0;
	s7 =	sadd.s32 $0x20, s0;
	v32 =	vadd.f32 v20, v44  }
0x70: {  	v57 =	vmul.f32 v21, v12;
	s31 =	sadd.s32 $0x30, s0;
	v46 =	vadd.f32 v20, v31;
	v48 =	vadd.f32 v20, v33;
	s18 =	sadd.s32 $0x5200, s2;
	[tilespmem:s6+$0x0] =	vst v23;
	s20 =	sor.u32 s30, s19  }
0x71: {  	v59 =	vmul.f32 v21, v13;
	v50 =	vadd.f32 v20, v47;
	v52 =	vadd.f32 v20, v49;
	s23 =	sor.u32 s15, s19;
	s14 =	sor.u32 s25, s19;
	s26 =	sor.u32 s8, s19;
	[tilespmem:s5+$0x0] =	vst v41  }
0x72: {  	v61 =	vmul.f32 v21, v14;
	v54 =	vadd.f32 v20, v51;
	v56 =	vadd.f32 v20, v53;
	s6 =	sor.u32 $0x200, s1;
	s9 =	sor.u32 $0x200, s31;
	[dreg:$0xc] =	wrdreg s20;
	[tilespmem:s23+$0x0] =	vst v42  }
0x73: {  	v21 =	vmul.f32 v21, v15;
	v58 =	vadd.f32 v20, v55;
	v60 =	vadd.f32 v20, v57;
	s10 =	sor.u32 $0x280, s1;
	s11 =	sor.u32 $0x280, s31;
	[tilespmem:s23+$0x80] =	vst v24;
	[dreg:$0x1c] =	wrdreg s6  }
0x74: {  	v19 =	vmul.f32 v22, v1;
	v62 =	vadd.f32 v20, v59;
	v47 =	vadd.f32 v20, v61;
	s12 =	sor.u32 $0x300, s1;
	s1 =	sor.u32 $0x380, s1;
	[tilespmem:s23+$0x100] =	vst v43;
	[dreg:$0x1d] =	wrdreg s10  }
0x75: {  	v20 =	vadd.f32 v20, v21;
	s13 =	sor.u32 $0x300, s31;
	s16 =	sor.u32 $0x200, s7;
	v21 =	vadd.f32 v17, v27;
	[tilespmem:s23+$0x180] =	vst v30;
	[dreg:$0x1e] =	wrdreg s12  }
0x76: {  	s19 =	sor.u32 $0x380, s31;
	s31 =	sor.u32 $0x300, s7;
	v19 =	vadd.f32 v17, v19;
	[dreg:$0x1a] =	wrdreg s1;
	[tilespmem:s9+$0x1200] =	vst v32  }
0x77: {  	v28 =	vmul.f32 v22, v3;
	s29 =	sor.u32 s30, s18;
	[dreg:$0x10] =	wrdreg s16;
	s5 =	sadd.s32 $0x5280, s2;
	[tilespmem:s14+$0x0] =	vst v21  }
0x78: {  	s20 =	sor.u32 $0x280, s7;
	s23 =	sor.u32 s15, s18;
	[dreg:$0x14] =	wrdreg s31;
	[tilespmem:s14+$0x80] =	vst v19  }
0x79: {  	s6 =	sadd.s32 $0x5380, s2;
	s16 =	sadd.s32 $0x5400, s2;
	s1 =	sadd.s32 $0x5480, s2;
	v19 =	vadd.f32 v17, v28;
	[tilespmem:s11+$0x1200] =	vst v46  }
0x7a: {  	[dreg:$0x12] =	wrdreg s20;
	s4 =	sor.u32 s15, s5;
	s9 =	sor.u32 $0x380, s7;
	[tilespmem:s13+$0x1200] =	vst v48  }
0x7b: {  	s12 =	sor.u32 s15, s6;
	s20 =	sor.u32 s15, s16;
	s31 =	sor.u32 s15, s1;
	[tilespmem:s14+$0x180] =	vst v19  }
0x7c: {  	s3 =	sor.u32 s25, s6;
	[dreg:$0x16] =	wrdreg s9;
	s11 =	sor.u32 $0x200, s0;
	[tilespmem:s19+$0x1200] =	vst v50  }
0x7d: {  	s13 =	sadd.s32 $0x5300, s2;
	[dreg:$0x13] =	wrdreg s11;
	s19 =	sor.u32 $0x280, s0;
	[tilespmem:s23+$0x0] =	vst v52  }
0x7e: {  	s10 =	sor.u32 s15, s13;
	[smem:$0x7F5] =	sst s19;
	s23 =	sor.u32 $0x300, s0;
	[tilespmem:s4+$0x0] =	vst v54  }
0x7f: {  	s0 =	sor.u32 $0x380, s0;
	s19 =	sor.u32 s30, s6;
	[dreg:$0x18] =	wrdreg s23;
	[tilespmem:s10+$0x0] =	vst v56  }
0x80: {  	s4 =	smov.u32 s17;
	s17 =	sadd.s32 $0x5500, s2;
	[dreg:$0x1f] =	wrdreg s0;
	[tilespmem:s12+$0x0] =	vst v58  }
0x81: {  	v49 =	vmul.f32 v18, v3;
	s0 =	sadd.s32 $0x5580, s2;
	s23 =	sor.u32 s30, s13;
	s2 =	sor.u32 s25, s13;
	[tilespmem:s20+$0x0] =	vst v60  }
0x82: {  	v23 =	vmul.f32 v22, v2;
	s13 =	sor.u32 s8, s13;
	s7 =	sor.u32 s15, s17;
	s11 =	sor.u32 s30, s17;
	[tilespmem:s31+$0x0] =	vst v62  }
0x83: {  	v27 =	vadd.f32 v16, v49;
	v48 =	vmul.f32 v18, v1;
	s9 =	sor.u32 s15, s0;
	s15 =	sor.u32 s30, s0;
	[smem:$0x7F7] =	sst s11;
	[tilespmem:s7+$0x0] =	vst v47  }
0x84: {  	v45 =	vmul.f32 v22, v4;
	v25 =	vmul.f32 v22, v6;
	s10 =	sor.u32 s30, s16;
	s12 =	sor.u32 s30, s1;
	[smem:$0x7F6] =	sst s15;
	[tilespmem:s9+$0x0] =	vst v20;
	v20 =	vadd.f32 v17, v23  }
0x85: {  	v34 =	vmul.f32 v22, v8;
	v24 =	vmul.f32 v22, v5;
	[tilespmem:s26+$0x180] =	vst v27;
	s11 =	sor.u32 s25, s17;
	s15 =	sor.u32 s8, s5;
	s20 =	sor.u32 s30, s5;
	v60 =	vadd.f32 v16, v48  }
0x86: {  	v35 =	vmul.f32 v22, v9;
	v36 =	vmul.f32 v22, v10;
	s30 =	sor.u32 s25, s18;
	s31 =	sor.u32 s25, s5;
	s5 =	sor.u32 s8, s6;
	[tilespmem:s14+$0x100] =	vst v20;
	v20 =	vadd.f32 v17, v45  }
0x87: {  	v37 =	vmul.f32 v22, v11;
	v29 =	vmul.f32 v22, v7;
	v19 =	vadd.f32 v17, v24;
	s6 =	sor.u32 s8, s1;
	[tilespmem:s26+$0x80] =	vst v60;
	s14 =	sor.u32 s8, s18;
	s18 =	rddreg [dreg:$0x1c]  }
0x88: {  	v39 =	vmul.f32 v22, v13;
	v38 =	vmul.f32 v22, v12;
	s7 =	sor.u32 s25, s16;
	s16 =	sor.u32 s8, s16;
	[tilespmem:s18+$0x1200] =	vst v20;
	v20 =	vadd.f32 v17, v25;
	s18 =	rddreg [dreg:$0x1d]  }
0x89: {  	v40 =	vmul.f32 v22, v14;
	v57 =	vadd.f32 v17, v37;
	v55 =	vadd.f32 v17, v29;
	s9 =	sor.u32 s25, s1;
	s1 =	sor.u32 s8, s17;
	[tilespmem:s18+$0x1200] =	vst v19;
	s18 =	rddreg [dreg:$0x1e]  }
0x8a: {  	v63 =	vmul.f32 v18, v0;
	v59 =	vadd.f32 v17, v39;
	s17 =	smov.u32 s4;
	s4 =	sor.u32 s8, s0;
	s8 =	rddreg [dreg:$0x1a];
	v19 =	vadd.f32 v17, v34;
	[tilespmem:s18+$0x1200] =	vst v20  }
0x8b: {  	v22 =	vmul.f32 v22, v15;
	v56 =	vadd.f32 v17, v35;
	v58 =	vadd.f32 v17, v38;
	[tilespmem:s8+$0x1200] =	vst v55  }
0x8c: {  	v20 =	vadd.f32 v17, v36;
	[tilespmem:s30+$0x0] =	vst v19;
	v19 =	vadd.f32 v17, v40  }
0x8d: {  	v51 =	vmul.f32 v18, v5;
	v17 =	vadd.f32 v17, v22;
	v22 =	vadd.f32 v16, v63;
	[tilespmem:s31+$0x0] =	vst v56  }
0x8e: {  	v53 =	vmul.f32 v18, v11;
	v41 =	vmul.f32 v18, v2;
	[tilespmem:s2+$0x0] =	vst v20  }
0x8f: {  	v44 =	vmul.f32 v18, v12;
	v42 =	vmul.f32 v18, v6;
	[tilespmem:s26+$0x0] =	vst v22  }
0x90: {  	v43 =	vmul.f32 v18, v10;
	v50 =	vmul.f32 v18, v4;
	v20 =	vadd.f32 v16, v41;
	[tilespmem:s3+$0x0] =	vst v57  }
0x91: {  	v21 =	vmul.f32 v18, v7;
	v61 =	vadd.f32 v16, v51;
	v52 =	vmul.f32 v18, v9;
	[tilespmem:s7+$0x0] =	vst v58  }
0x92: {  	v26 =	vadd.f32 v16, v53;
	v54 =	vmul.f32 v18, v13;
	v30 =	vadd.f32 v16, v50;
	[tilespmem:s26+$0x100] =	vst v20  }
0x93: {  	v21 =	vadd.f32 v16, v21;
	v28 =	vadd.f32 v16, v52;
	v23 =	vmul.f32 v18, v8;
	s18 =	rddreg [dreg:$0x10];
	[tilespmem:s9+$0x0] =	vst v59  }
0x94: {  	v24 =	vadd.f32 v16, v54;
	v45 =	vmul.f32 v18, v14;
	v18 =	vmul.f32 v18, v15;
	[tilespmem:s18+$0x1200] =	vst v30  }
0x95: {  	v62 =	vadd.f32 v16, v42;
	s25 =	sor.u32 s25, s0;
	v23 =	vadd.f32 v16, v23;
	[tilespmem:s11+$0x0] =	vst v19  }
0x96: {  	s24 =	sadd.s32 $0x40, s24;
	v18 =	vadd.f32 v16, v18;
	v63 =	vadd.f32 v16, v43;
	[tilespmem:s25+$0x0] =	vst v17;
	s25 =	rddreg [dreg:$0x12]  }
0x97: {  	v22 =	vadd.f32 v16, v45;
	s26 =	rddreg [dreg:$0x14];
	v17 =	vadd.f32 v16, v44;
	v16 =	vld [tilespmem:s24+$0x0];
	[tilespmem:s25+$0x1200] =	vst v61  }
0x98: {  	s28 =	sadd.s32 $0x40, s28;
	s30 =	rddreg [dreg:$0x16];
	[tilespmem:s26+$0x1200] =	vst v62  }
0x99: {  	v19 =	vld [tilespmem:s28+$0x0];
	[tilespmem:s30+$0x1200] =	vst v21  }
0x9a: {  	[tilespmem:s14+$0x0] =	vst v23  }
0x9b: {  	[tilespmem:s15+$0x0] =	vst v28  }
0x9c: {  	v20 =	vmul.f32 v16, v0;
	[tilespmem:s13+$0x0] =	vst v63  }
0x9d: {  	[tilespmem:s5+$0x0] =	vst v26  }
0x9e: {  	v20 =	vadd.f32 v19, v20;
	[tilespmem:s16+$0x0] =	vst v17  }
0x9f: {  	s21 =	sadd.s32 $0x4, s21;
	s31 =	rddreg [dreg:$0xc];
	v17 =	vmul.f32 v16, v1;
	[tilespmem:s6+$0x0] =	vst v24  }
0xa0: {  	p2 =	slt.u32 s21, $0x7C;
	s7 =	smov.u32 s19;
	s19 =	sld [smem:$0x7F5];
	v21 =	vmul.f32 v16, v2;
	[tilespmem:s31+$0x0] =	vst v20  }
.Ltmp0:
0xa1: {  	s14 =	rddreg [dreg:$0x1f];
	[tilespmem:s1+$0x0] =	vst v22;
	v17 =	vadd.f32 v19, v17;
	v22 =	vmul.f32 v16, v3;
	(pc) =	sbr.rel @p2 .LBB2_3-.Ltmp0, $4  }
0xa2: {  	s13 =	rddreg [dreg:$0x18];
	v20 =	vmul.f32 v16, v4;
	[tilespmem:s4+$0x0] =	vst v18;
	v18 =	vadd.f32 v19, v21  }
0xa3: {  	s5 =	sld [smem:$0x7F6];
	[tilespmem:s31+$0x80] =	vst v17;
	v17 =	vadd.f32 v19, v22;
	v22 =	vmul.f32 v16, v5  }
0xa4: {  	s22 =	sadd.s32 $0x40, s22;
	s16 =	rddreg [dreg:$0x13];
	v20 =	vadd.f32 v19, v20;
	[tilespmem:s31+$0x100] =	vst v18  }
0xa5: {  	s2 =	smov.u32 s10;
	s3 =	smov.u32 s12;
	s6 =	sld [smem:$0x7F7];
	v21 =	vmul.f32 v16, v6;
	v18 =	vmul.f32 v16, v7;
	[tilespmem:s31+$0x180] =	vst v17;
	v17 =	vadd.f32 v19, v22  }
0xa6: {  	_ = 	snop  }
0xa7: {  	[tilespmem:s16+$0x1200] =	vst v20;
	v1 =	vmul.f32 v16, v8;
	v0 =	vadd.f32 v19, v21  }
0xa8: {  	v3 =	vmul.f32 v16, v9;
	[tilespmem:s19+$0x1200] =	vst v17;
	v2 =	vadd.f32 v19, v18  }
0xa9: {  	[tilespmem:s13+$0x1200] =	vst v0;
	v0 =	vadd.f32 v19, v1;
	v1 =	vmul.f32 v16, v10  }
0xaa: {  	[tilespmem:s14+$0x1200] =	vst v2;
	v2 =	vadd.f32 v19, v3;
	v3 =	vmul.f32 v16, v11  }
0xab: {  	[tilespmem:s29+$0x0] =	vst v0;
	v0 =	vadd.f32 v19, v1;
	v1 =	vmul.f32 v16, v12  }
0xac: {  	[tilespmem:s20+$0x0] =	vst v2;
	v2 =	vadd.f32 v19, v3;
	v3 =	vmul.f32 v16, v13  }
0xad: {  	[tilespmem:s23+$0x0] =	vst v0;
	v0 =	vadd.f32 v19, v1  }
0xae: {  	[tilespmem:s7+$0x0] =	vst v2;
	v2 =	vadd.f32 v19, v3  }
0xaf: {  	[tilespmem:s2+$0x0] =	vst v0  }
0xb0: {  	[tilespmem:s3+$0x0] =	vst v2  }
0xb1: {  	s0 =	sld [smem:$0x7FB]  }
0xb2: {  	v1 =	vmul.f32 v16, v14;
	s3 =	sld [smem:$0x7F9]  }
0xb3: {  	v3 =	vmul.f32 v16, v15  }
0xb4: {  	v0 =	vadd.f32 v19, v1  }
0xb5: {  	v1 =	vadd.f32 v19, v3;
	s0 =	sadd.s32 s0, s3  }
0xb6: {  	s1 =	rddreg [dreg:$0x3];
	[tilespmem:s6+$0x0] =	vst v0;
	s0 =	sshll.u32 s0, $0x8  }
0xb7: {  	s17 =	simm.s32 $0x0;
	s18 =	simm.s32 $0x1200;
	[tilespmem:s5+$0x0] =	vst v1;
	s0 =	sadd.s32 s1, s0  }
0xb8: {  	[hbm4b:s0+s17] =	stream.linear.scatter [tilespmem:s18], [sflag:$0x1], $0x8000, $0x38;
	[tilespmem:$0x11200] =	vst v63  }
0xb9: {  	s0 =	simm.s32 @!p0 $0x2  }
0xba: {  	_ =	swait.ge @!p0 [sflag:s0], $0x8000  }
0xbb: {  	[sflag:s0] =	ssyncset.done @!p0 $0x0  }
0xbc: {  	s19 =	sor.u32 $0x10, s3;
	[sflag:s0] =	ssyncadd.s32 @!p0 $0xFFFF8000  }
0xbd: {  	s22 =	simm.s32 $0x0;
	v0 =	vld [tilespmem:s19+$0x0]  }
0xbe: {  	s0 =	sand.u32 $0x40, s22  }
0xbf: {  	s6 =	sand.u32 $0x780, s22;
	s17 =	sor.u32 $0x30, s0  }
0xc0: {  	[smem:$0x7F4] =	sst s19;
	s20 =	sor.u32 s6, s17  }
0xc1: {  	v16 =	vld [tilespmem:s20+$0x200]  }
0xc2: {  	v15 =	vmul.f32 $1.666666660e-06, v0  }
0xc3: {  	v17 =	vld [tilespmem:s20+$0xA00]  }
0xc4: {  	v0 =	vbroadcast v15, $0x0  }
0xc5: {  	v1 =	vbroadcast v15, $0x1  }
0xc6: {  	v2 =	vbroadcast v15, $0x2;
	v5 =	vmul.f32 v16, v0  }
0xc7: {  	s5 =	sand.u32 $0x3C00, s22;
	v3 =	vbroadcast v15, $0x3;
	v6 =	vmul.f32 v16, v1  }
0xc8: {  	s2 =	sadd.s32 $0x9200, s5;
	v4 =	vbroadcast v15, $0x4;
	v8 =	vmul.f32 v16, v2;
	v7 =	vadd.f32 v17, v5  }
0xc9: {  	s1 =	sadd.s32 $0x9280, s5;
	s4 =	sor.u32 s17, s2;
	v10 =	vmul.f32 v16, v3;
	v5 =	vbroadcast v15, $0x5;
	v9 =	vadd.f32 v17, v6  }
0xca: {  	s3 =	sadd.s32 $0x9300, s5;
	s21 =	sor.u32 s17, s1;
	v12 =	vmul.f32 v16, v4;
	v6 =	vbroadcast v15, $0x6;
	v11 =	vadd.f32 v17, v8;
	[tilespmem:s4+$0x0] =	vst v7  }
0xcb: {  	s7 =	sadd.s32 $0x9380, s5;
	s23 =	sor.u32 s17, s3;
	v10 =	vadd.f32 v17, v10;
	v7 =	vbroadcast v15, $0x7;
	v13 =	vmul.f32 v16, v5;
	[tilespmem:s21+$0x0] =	vst v9  }
0xcc: {  	s9 =	sadd.s32 $0x9400, s5;
	s24 =	sor.u32 s17, s7;
	v8 =	vbroadcast v15, $0x8;
	[tilespmem:s23+$0x0] =	vst v11;
	v11 =	vadd.f32 v17, v12;
	v12 =	vmul.f32 v16, v6  }
0xcd: {  	s16 =	sadd.s32 $0x9480, s5;
	s25 =	sor.u32 s17, s9;
	v9 =	vbroadcast v15, $0x9;
	v13 =	vadd.f32 v17, v13;
	v14 =	vmul.f32 v16, v7;
	[tilespmem:s24+$0x0] =	vst v10  }
0xce: {  	s10 =	sadd.s32 $0x9500, s5;
	s26 =	sor.u32 s17, s16;
	v19 =	vmul.f32 v16, v8;
	v10 =	vbroadcast v15, $0xA;
	[tilespmem:s25+$0x0] =	vst v11;
	v18 =	vadd.f32 v17, v12  }
0xcf: {  	s11 =	sadd.s32 $0x9580, s5;
	s8 =	sor.u32 $0x10, s0;
	s28 =	sor.u32 s17, s10;
	v20 =	vmul.f32 v16, v9;
	v11 =	vbroadcast v15, $0xB;
	v14 =	vadd.f32 v17, v14;
	[tilespmem:s26+$0x0] =	vst v13  }
0xd0: {  	s12 =	sadd.s32 $0xD200, s5;
	s29 =	sor.u32 s6, s8;
	s30 =	sor.u32 s17, s11;
	v12 =	vbroadcast v15, $0xC;
	[tilespmem:s28+$0x0] =	vst v18;
	v18 =	vadd.f32 v17, v19;
	v19 =	vmul.f32 v16, v10  }
0xd1: {  	s31 =	sor.u32 s17, s12;
	v21 =	vld [tilespmem:s29+$0x200];
	s21 =	sadd.s32 $0xD280, s5;
	v13 =	vbroadcast v15, $0xD;
	v20 =	vadd.f32 v17, v20;
	v22 =	vmul.f32 v16, v11;
	[tilespmem:s30+$0x0] =	vst v14  }
0xd2: {  	s15 =	sadd.s32 $0xD300, s5;
	s14 =	sor.u32 s17, s21;
	v14 =	vbroadcast v15, $0xE;
	[tilespmem:s31+$0x0] =	vst v18;
	v18 =	vadd.f32 v17, v19;
	v19 =	vmul.f32 v16, v12  }
0xd3: {  	s18 =	sor.u32 s17, s15;
	v23 =	vld [tilespmem:s29+$0xA00];
	s20 =	sadd.s32 $0xD380, s5;
	v15 =	vbroadcast v15, $0xF;
	[tilespmem:s14+$0x0] =	vst v20;
	v20 =	vadd.f32 v17, v22;
	v22 =	vmul.f32 v16, v13  }
0xd4: {  	s13 =	sadd.s32 $0xD400, s5;
	s19 =	sor.u32 s17, s20;
	[tilespmem:s18+$0x0] =	vst v18;
	v18 =	vadd.f32 v17, v19;
	v19 =	vmul.f32 v16, v14  }
0xd5: {  	s4 =	sadd.s32 $0xD480, s5;
	s18 =	sor.u32 s17, s13;
	v16 =	vmul.f32 v16, v15;
	[tilespmem:s19+$0x0] =	vst v20;
	v20 =	vadd.f32 v17, v22  }
0xd6: {  	s23 =	sor.u32 s17, s4;
	s14 =	sadd.s32 $0xD500, s5;
	v22 =	vmul.f32 v21, v0;
	[tilespmem:s18+$0x0] =	vst v18;
	v18 =	vadd.f32 v17, v19  }
0xd7: {  	s5 =	sadd.s32 $0xD580, s5;
	s24 =	sor.u32 s17, s14;
	v19 =	vmul.f32 v21, v1;
	v16 =	vadd.f32 v17, v16;
	[tilespmem:s23+$0x0] =	vst v20  }
0xd8: {  	s17 =	sor.u32 s17, s5;
	v17 =	vmul.f32 v21, v2;
	v20 =	vadd.f32 v23, v22;
	[tilespmem:s24+$0x0] =	vst v18  }
0xd9: {  	s25 =	sor.u32 s8, s2;
	v18 =	vmul.f32 v21, v3;
	v19 =	vadd.f32 v23, v19;
	[tilespmem:s17+$0x0] =	vst v16  }
0xda: {  	s26 =	sor.u32 s8, s1;
	v17 =	vadd.f32 v23, v17;
	v16 =	vmul.f32 v21, v4;
	[tilespmem:s25+$0x0] =	vst v20  }
0xdb: {  	s28 =	sor.u32 s8, s3;
	v20 =	vmul.f32 v21, v5;
	[tilespmem:s26+$0x0] =	vst v19;
	v18 =	vadd.f32 v23, v18  }
0xdc: {  	s29 =	sor.u32 s8, s7;
	v19 =	vmul.f32 v21, v6;
	[tilespmem:s28+$0x0] =	vst v17;
	v16 =	vadd.f32 v23, v16  }
0xdd: {  	s30 =	sor.u32 s8, s9;
	v17 =	vmul.f32 v21, v7;
	[tilespmem:s29+$0x0] =	vst v18;
	v18 =	vadd.f32 v23, v20  }
0xde: {  	s31 =	sor.u32 s8, s16;
	v20 =	vmul.f32 v21, v8;
	[tilespmem:s30+$0x0] =	vst v16;
	v16 =	vadd.f32 v23, v19  }
0xdf: {  	s19 =	sor.u32 s8, s10;
	s17 =	sor.u32 $0x20, s0;
	v19 =	vmul.f32 v21, v9;
	v17 =	vadd.f32 v23, v17;
	[tilespmem:s31+$0x0] =	vst v18  }
0xe0: {  	s23 =	sor.u32 s8, s11;
	s6 =	sor.u32 s6, s17;
	v18 =	vmul.f32 v21, v10;
	[tilespmem:s19+$0x0] =	vst v16;
	v16 =	vadd.f32 v23, v20  }
0xe1: {  	v22 =	vmul.f32 v21, v11;
	s24 =	sor.u32 s8, s12;
	v20 =	vld [tilespmem:s6+$0x200];
	[tilespmem:s23+$0x0] =	vst v17;
	v17 =	vadd.f32 v23, v19  }
0xe2: {  	s25 =	sor.u32 s8, s21;
	v19 =	vmul.f32 v21, v12;
	[tilespmem:s24+$0x0] =	vst v16;
	v16 =	vadd.f32 v23, v18  }
0xe3: {  	v24 =	vmul.f32 v21, v13;
	v22 =	vadd.f32 v23, v22;
	s26 =	sor.u32 s8, s15;
	v18 =	vld [tilespmem:s6+$0xA00];
	[tilespmem:s25+$0x0] =	vst v17  }
0xe4: {  	s28 =	sor.u32 s8, s20;
	v17 =	vmul.f32 v21, v14;
	v19 =	vadd.f32 v23, v19;
	[tilespmem:s26+$0x0] =	vst v16  }
0xe5: {  	s29 =	sor.u32 s8, s13;
	v16 =	vmul.f32 v21, v15;
	v21 =	vadd.f32 v23, v24;
	[tilespmem:s28+$0x0] =	vst v22  }
0xe6: {  	s30 =	sor.u32 s8, s4;
	v22 =	vmul.f32 v20, v0;
	v17 =	vadd.f32 v23, v17;
	[tilespmem:s29+$0x0] =	vst v19  }
0xe7: {  	s31 =	sor.u32 s8, s14;
	v19 =	vmul.f32 v20, v1;
	v16 =	vadd.f32 v23, v16;
	[tilespmem:s30+$0x0] =	vst v21  }
0xe8: {  	s8 =	sor.u32 s8, s5;
	v21 =	vmul.f32 v20, v2;
	v22 =	vadd.f32 v18, v22;
	[tilespmem:s31+$0x0] =	vst v17  }
0xe9: {  	s19 =	sor.u32 s17, s2;
	v17 =	vmul.f32 v20, v3;
	v19 =	vadd.f32 v18, v19;
	[tilespmem:s8+$0x0] =	vst v16  }
0xea: {  	s23 =	sor.u32 s17, s1;
	v16 =	vmul.f32 v20, v4;
	v21 =	vadd.f32 v18, v21;
	[tilespmem:s19+$0x0] =	vst v22  }
0xeb: {  	s24 =	sor.u32 s17, s3;
	v22 =	vmul.f32 v20, v5;
	v17 =	vadd.f32 v18, v17;
	[tilespmem:s23+$0x0] =	vst v19  }
0xec: {  	s25 =	sor.u32 s17, s7;
	v19 =	vmul.f32 v20, v6;
	v16 =	vadd.f32 v18, v16;
	[tilespmem:s24+$0x0] =	vst v21  }
0xed: {  	s26 =	sor.u32 s17, s9;
	v21 =	vmul.f32 v20, v7;
	v22 =	vadd.f32 v18, v22;
	[tilespmem:s25+$0x0] =	vst v17  }
0xee: {  	s28 =	sor.u32 s17, s16;
	v17 =	vmul.f32 v20, v8;
	v19 =	vadd.f32 v18, v19;
	[tilespmem:s26+$0x0] =	vst v16  }
0xef: {  	s29 =	sor.u32 s17, s10;
	v16 =	vmul.f32 v20, v9;
	v21 =	vadd.f32 v18, v21;
	[tilespmem:s28+$0x0] =	vst v22  }
0xf0: {  	s30 =	sor.u32 s17, s11;
	s19 =	simm.s32 $0x200;
	v22 =	vmul.f32 v20, v10;
	v17 =	vadd.f32 v18, v17;
	[tilespmem:s29+$0x0] =	vst v19  }
0xf1: {  	s31 =	sor.u32 s17, s12;
	v19 =	vmul.f32 v20, v11;
	v23 =	vadd.f32 v18, v16;
	v16 =	vld [tilespmem:s19+$0x0];
	[tilespmem:s30+$0x0] =	vst v21  }
0xf2: {  	s18 =	simm.s32 $0xA00;
	s8 =	sor.u32 s17, s21;
	v21 =	vmul.f32 v20, v12;
	[tilespmem:s31+$0x0] =	vst v17;
	v17 =	vadd.f32 v18, v22  }
0xf3: {  	s23 =	sor.u32 s17, s15;
	v22 =	vmul.f32 v20, v13;
	[tilespmem:s8+$0x0] =	vst v23;
	v23 =	vadd.f32 v18, v19;
	v19 =	vld [tilespmem:s18+$0x0]  }
0xf4: {  	v63 =	vmul.f32 v20, v14;
	s24 =	sor.u32 s17, s20;
	[tilespmem:s23+$0x0] =	vst v17;
	v17 =	vadd.f32 v18, v21  }
0xf5: {  	s25 =	sor.u32 s17, s13;
	v20 =	vmul.f32 v20, v15;
	v21 =	vadd.f32 v18, v22;
	[tilespmem:s24+$0x0] =	vst v23  }
0xf6: {  	s26 =	sor.u32 s17, s4;
	v22 =	vmul.f32 v16, v0;
	[tilespmem:s25+$0x0] =	vst v17;
	v17 =	vadd.f32 v18, v63  }
0xf7: {  	s2 =	sor.u32 s0, s2;
	s28 =	sor.u32 s17, s14;
	v18 =	vadd.f32 v18, v20;
	v20 =	vmul.f32 v16, v1;
	[tilespmem:s26+$0x0] =	vst v21  }
0xf8: {  	s1 =	sor.u32 s0, s1;
	s6 =	sor.u32 s0, s5;
	s30 =	sor.u32 s17, s5;
	v21 =	vmul.f32 v16, v2;
	[tilespmem:s28+$0x0] =	vst v17;
	v17 =	vadd.f32 v19, v22  }
0xf9: {  	s12 =	sor.u32 s0, s12;
	s20 =	sor.u32 s0, s20;
	s29 =	sor.u32 s0, s3;
	[tilespmem:s30+$0x0] =	vst v18;
	v18 =	vadd.f32 v19, v20;
	v20 =	vmul.f32 v16, v3  }
0xfa: {  	s3 =	sor.u32 s0, s16;
	s16 =	sor.u32 s0, s11;
	s17 =	sor.u32 s0, s14;
	[tilespmem:s2+$0x0] =	vst v17;
	v17 =	vadd.f32 v19, v21;
	v21 =	vmul.f32 v16, v4  }
0xfb: {  	s31 =	sor.u32 s0, s7;
	s7 =	sor.u32 s0, s9;
	s9 =	sor.u32 s0, s10;
	v22 =	vmul.f32 v16, v5;
	[tilespmem:s1+$0x0] =	vst v18;
	v18 =	vadd.f32 v19, v20  }
0xfc: {  	s23 =	sor.u32 s0, s13;
	s24 =	sor.u32 s0, s4;
	s2 =	simm.s32 $0x0;
	[tilespmem:s29+$0x0] =	vst v17;
	v20 =	vadd.f32 v19, v21  }
0xfd: {  	s1 =	sor.u32 s0, s21;
	s21 =	sor.u32 s0, s15;
	s0 =	simm.s32 $0x40;
	v21 =	vmul.f32 v16, v6;
	v17 =	vadd.f32 v19, v22;
	[tilespmem:s31+$0x0] =	vst v18;
	v18 =	vmul.f32 v16, v7  }
.LBB2_5:
0xfe: {  	[dreg:$0x7] =	wrdreg s0  }
0xff: {  	[dreg:$0x5] =	wrdreg s18  }
0x100: {  	s15 =	sand.u32 $0x40, s0;
	s18 =	rddreg [dreg:$0x7]  }
0x101: {  	[tilespmem:s7+$0x0] =	vst v20;
	v20 =	vadd.f32 v19, v21;
	v21 =	vmul.f32 v16, v8;
	s13 =	sor.u32 $0x30, s15;
	s0 =	sand.u32 $0x780, s18  }
0x102: {  	s10 =	sor.u32 $0x10, s15;
	[tilespmem:s3+$0x0] =	vst v17;
	s5 =	sor.u32 s0, s13  }
0x103: {  	s4 =	sor.u32 s0, s10;
	[tilespmem:s9+$0x0] =	vst v20;
	v20 =	vadd.f32 v19, v21;
	v21 =	vld [tilespmem:s5+$0x200]  }
0x104: {  	v17 =	vadd.f32 v19, v18;
	v18 =	vmul.f32 v16, v9;
	v22 =	vld [tilespmem:s4+$0x200]  }
0x105: {  	v23 =	vmul.f32 v16, v10  }
0x106: {  	v24 =	vmul.f32 v16, v12;
	[tilespmem:s16+$0x0] =	vst v17;
	v17 =	vadd.f32 v19, v18;
	v18 =	vmul.f32 v16, v11  }
0x107: {  	v26 =	vmul.f32 v16, v13;
	v51 =	vmul.f32 v16, v14;
	v23 =	vadd.f32 v19, v23;
	[tilespmem:s12+$0x0] =	vst v20  }
0x108: {  	v53 =	vmul.f32 v16, v15;
	v20 =	vld [tilespmem:s5+$0xA00];
	[tilespmem:s1+$0x0] =	vst v17;
	v25 =	vadd.f32 v19, v18;
	v27 =	vmul.f32 v21, v0  }
0x109: {  	s11 =	sor.u32 $0x20, s15;
	[tilespmem:s21+$0x0] =	vst v23;
	v23 =	vadd.f32 v19, v24;
	v28 =	vmul.f32 v22, v0;
	v29 =	vmul.f32 v21, v1  }
0x10a: {  	s22 =	sadd.s32 $0x200, s22;
	s2 =	sadd.s32 $0x4, s2;
	v52 =	vadd.f32 v19, v26;
	s0 =	sor.u32 s0, s11;
	[tilespmem:s20+$0x0] =	vst v25;
	v55 =	vmul.f32 v21, v2;
	v30 =	vmul.f32 v21, v3  }
0x10b: {  	[dreg:$0x6] =	wrdreg s2;
	p0 =	slt.u32 s2, $0x7C;
	v16 =	vld [tilespmem:s0+$0xA00];
	v24 =	vadd.f32 v19, v51;
	[tilespmem:s23+$0x0] =	vst v23;
	s23 =	sand.u32 $0x3C00, s22;
	v31 =	vmul.f32 v21, v4;
	v58 =	vmul.f32 v21, v5  }
0x10c: {  	v17 =	vld [tilespmem:s4+$0xA00];
	v19 =	vadd.f32 v19, v53;
	v32 =	vmul.f32 v21, v6;
	v33 =	vmul.f32 v21, v7;
	[tilespmem:s24+$0x0] =	vst v52;
	s14 =	sadd.s32 $0x9200, s23;
	s4 =	sadd.s32 $0x9280, s23;
	s5 =	sadd.s32 $0x9300, s23  }
0x10d: {  	v18 =	vld [tilespmem:s0+$0x200];
	v60 =	vmul.f32 v21, v8;
	v62 =	vmul.f32 v21, v9;
	s16 =	sadd.s32 $0x9480, s23;
	s0 =	sadd.s32 $0x9500, s23;
	s18 =	sadd.s32 $0x9580, s23;
	v54 =	vadd.f32 v20, v27;
	[tilespmem:s17+$0x0] =	vst v24  }
0x10e: {  	v40 =	vmul.f32 v21, v10;
	s24 =	sor.u32 s15, s14;
	s25 =	sor.u32 s13, s14;
	v29 =	vadd.f32 v20, v29;
	s26 =	sor.u32 s15, s4;
	v57 =	vadd.f32 v20, v30;
	[tilespmem:s6+$0x0] =	vst v19  }
0x10f: {  	v42 =	vmul.f32 v21, v11;
	s28 =	sor.u32 s13, s4;
	s29 =	sor.u32 s15, s5;
	s30 =	sor.u32 s13, s5;
	v31 =	vadd.f32 v20, v31;
	v19 =	vadd.f32 v20, v55;
	[tilespmem:s25+$0x0] =	vst v54  }
0x110: {  	v44 =	vmul.f32 v21, v12;
	s17 =	sadd.s32 $0x9400, s23;
	v30 =	vadd.f32 v20, v58;
	v59 =	vadd.f32 v20, v32;
	[dreg:$0x8] =	wrdreg s24;
	s6 =	sadd.s32 $0x9380, s23;
	[tilespmem:s28+$0x0] =	vst v29  }
0x111: {  	v46 =	vmul.f32 v21, v13;
	s7 =	sor.u32 s13, s16;
	v61 =	vadd.f32 v20, v33;
	v63 =	vadd.f32 v20, v60;
	[dreg:$0x9] =	wrdreg s26;
	s1 =	sor.u32 s13, s6;
	[tilespmem:s30+$0x0] =	vst v19  }
0x112: {  	v48 =	vmul.f32 v21, v14;
	s12 =	sor.u32 s15, s16;
	v41 =	vadd.f32 v20, v62;
	v43 =	vadd.f32 v20, v40;
	[dreg:$0xa] =	wrdreg s29;
	s3 =	sor.u32 s13, s17;
	[tilespmem:s1+$0x0] =	vst v57  }
0x113: {  	v21 =	vmul.f32 v21, v15;
	s9 =	sor.u32 s13, s0;
	v45 =	vadd.f32 v20, v42;
	v47 =	vadd.f32 v20, v44;
	s8 =	sor.u32 s15, s17;
	[dreg:$0xf] =	wrdreg s12;
	[tilespmem:s3+$0x0] =	vst v31  }
0x114: {  	s21 =	sor.u32 s15, s0;
	v49 =	vadd.f32 v20, v46;
	v51 =	vadd.f32 v20, v48;
	[dreg:$0x15] =	wrdreg s8;
	s8 =	sadd.s32 $0xD300, s23;
	[tilespmem:s7+$0x0] =	vst v30  }
0x115: {  	s20 =	sor.u32 s13, s18;
	[dreg:$0xd] =	wrdreg s21;
	v20 =	vadd.f32 v20, v21;
	v21 =	vadd.f32 v17, v28;
	s7 =	sor.u32 s15, s8;
	[tilespmem:s9+$0x0] =	vst v59  }
0x116: {  	s28 =	sadd.s32 $0xD200, s23;
	[dreg:$0x17] =	wrdreg s7;
	s7 =	sor.u32 s10, s14;
	[tilespmem:s20+$0x0] =	vst v61  }
0x117: {  	s31 =	sor.u32 s15, s6;
	s24 =	sor.u32 s13, s28;
	s9 =	sadd.s32 $0xD280, s23;
	[tilespmem:s7+$0x0] =	vst v21  }
0x118: {  	s25 =	sor.u32 s15, s18;
	[dreg:$0xb] =	wrdreg s31;
	s26 =	sor.u32 s13, s9;
	[tilespmem:s24+$0x0] =	vst v63  }
0x119: {  	[dreg:$0x11] =	wrdreg s25;
	s30 =	sor.u32 s13, s8;
	s24 =	sadd.s32 $0xD380, s23;
	[tilespmem:s26+$0x0] =	vst v41  }
0x11a: {  	s25 =	sadd.s32 $0xD400, s23;
	s29 =	sor.u32 s15, s28;
	s3 =	sor.u32 s13, s24;
	[tilespmem:s30+$0x0] =	vst v43  }
0x11b: {  	s12 =	sor.u32 s13, s25;
	[dreg:$0x19] =	wrdreg s29;
	s26 =	sadd.s32 $0xD480, s23;
	[tilespmem:s3+$0x0] =	vst v45  }
0x11c: {  	v23 =	vmul.f32 v22, v1;
	s29 =	sadd.s32 $0xD500, s23;
	s21 =	sor.u32 s13, s26;
	s30 =	sor.u32 s15, s25;
	[tilespmem:s12+$0x0] =	vst v47  }
0x11d: {  	v56 =	vmul.f32 v22, v2;
	s23 =	sadd.s32 $0xD580, s23;
	[smem:$0x7F1] =	sst s30;
	s30 =	sor.u32 s13, s29;
	[tilespmem:s21+$0x0] =	vst v49  }
0x11e: {  	v25 =	vmul.f32 v22, v3;
	v23 =	vadd.f32 v17, v23;
	s2 =	sor.u32 s15, s29;
	s31 =	sor.u32 s15, s9;
	s13 =	sor.u32 s13, s23;
	[tilespmem:s30+$0x0] =	vst v51  }
0x11f: {  	v26 =	vmul.f32 v22, v4;
	v34 =	vmul.f32 v22, v8;
	[dreg:$0xe] =	wrdreg s31;
	s20 =	sor.u32 s15, s24;
	s12 =	sor.u32 s10, s4;
	[tilespmem:s13+$0x0] =	vst v20;
	v20 =	vadd.f32 v17, v56  }
0x120: {  	v35 =	vmul.f32 v22, v9;
	v27 =	vmul.f32 v22, v5;
	s31 =	sor.u32 s15, s26;
	s3 =	sor.u32 s15, s23;
	s15 =	sor.u32 s10, s5;
	[tilespmem:s12+$0x0] =	vst v23;
	v23 =	vadd.f32 v17, v25  }
0x121: {  	v36 =	vmul.f32 v22, v10;
	v19 =	vmul.f32 v22, v6;
	[smem:$0x7F2] =	sst s20;
	s20 =	sor.u32 s10, s6;
	[tilespmem:s15+$0x0] =	vst v20;
	v20 =	vadd.f32 v17, v26  }
0x122: {  	v37 =	vmul.f32 v22, v11;
	v29 =	vmul.f32 v22, v7;
	[smem:$0x7F0] =	sst s31;
	s31 =	sor.u32 s10, s17;
	[tilespmem:s20+$0x0] =	vst v23;
	v23 =	vadd.f32 v17, v27  }
0x123: {  	v38 =	vmul.f32 v22, v12;
	v39 =	vmul.f32 v22, v13;
	v19 =	vadd.f32 v17, v19;
	s21 =	sor.u32 s10, s16;
	[tilespmem:s31+$0x0] =	vst v20  }
0x124: {  	v40 =	vmul.f32 v22, v14;
	v60 =	vadd.f32 v17, v35;
	[dreg:$0x1b] =	wrdreg s3;
	s3 =	sor.u32 s10, s0;
	v20 =	vadd.f32 v17, v29;
	[tilespmem:s21+$0x0] =	vst v23  }
0x125: {  	v50 =	vmul.f32 v18, v0;
	v62 =	vadd.f32 v17, v39;
	s1 =	sor.u32 s10, s18;
	v23 =	vadd.f32 v17, v34;
	[tilespmem:s3+$0x0] =	vst v19  }
0x126: {  	v22 =	vmul.f32 v22, v15;
	v61 =	vadd.f32 v17, v37;
	s13 =	sor.u32 s10, s28;
	v19 =	vadd.f32 v17, v36;
	[tilespmem:s1+$0x0] =	vst v20  }
0x127: {  	[smem:$0x7F3] =	sst s2;
	s2 =	sor.u32 s10, s9;
	v20 =	vadd.f32 v17, v38;
	[tilespmem:s13+$0x0] =	vst v23;
	v23 =	vadd.f32 v17, v40  }
0x128: {  	v52 =	vmul.f32 v18, v1;
	s7 =	sor.u32 s10, s8;
	v17 =	vadd.f32 v17, v22;
	v22 =	vadd.f32 v16, v50;
	[tilespmem:s2+$0x0] =	vst v60  }
0x129: {  	s14 =	sor.u32 s11, s14;
	[tilespmem:s7+$0x0] =	vst v19  }
0x12a: {  	v63 =	vadd.f32 v16, v52;
	v41 =	vmul.f32 v18, v2;
	s15 =	sor.u32 s10, s24;
	[tilespmem:s14+$0x0] =	vst v22  }
0x12b: {  	s30 =	sor.u32 s11, s4;
	[tilespmem:s15+$0x0] =	vst v61  }
0x12c: {  	v53 =	vmul.f32 v18, v3;
	v42 =	vmul.f32 v18, v6;
	s12 =	sor.u32 s10, s25;
	v19 =	vadd.f32 v16, v41;
	[tilespmem:s30+$0x0] =	vst v63  }
0x12d: {  	v58 =	vmul.f32 v18, v11;
	v44 =	vmul.f32 v18, v12;
	s18 =	sor.u32 s11, s18;
	s9 =	sor.u32 s11, s9;
	s4 =	sor.u32 s11, s5;
	[tilespmem:s12+$0x0] =	vst v20  }
0x12e: {  	v55 =	vmul.f32 v18, v5;
	v54 =	vmul.f32 v18, v4;
	v28 =	vadd.f32 v16, v53;
	s8 =	sor.u32 s11, s8;
	s20 =	smov.u32 s19;
	s19 =	sor.u32 s10, s26;
	[tilespmem:s4+$0x0] =	vst v19  }
0x12f: {  	v57 =	vmul.f32 v18, v9;
	v21 =	vmul.f32 v18, v7;
	s5 =	sor.u32 s11, s28;
	s28 =	sor.u32 s11, s26;
	s21 =	sor.u32 s11, s6;
	[tilespmem:s19+$0x0] =	vst v62  }
0x130: {  	v31 =	vadd.f32 v16, v55;
	v30 =	vadd.f32 v16, v54;
	v59 =	vmul.f32 v18, v13;
	s26 =	rddreg [dreg:$0x7];
	s31 =	sor.u32 s10, s29;
	s10 =	sor.u32 s10, s23;
	[tilespmem:s21+$0x0] =	vst v28  }
0x131: {  	v21 =	vadd.f32 v16, v21;
	v43 =	vmul.f32 v18, v10;
	v56 =	vmul.f32 v18, v8;
	s6 =	sor.u32 s11, s24;
	s24 =	sld [smem:$0x7F0];
	s3 =	sor.u32 s11, s17;
	[tilespmem:s31+$0x0] =	vst v23  }
0x132: {  	v45 =	vmul.f32 v18, v14;
	v25 =	vadd.f32 v16, v57;
	v18 =	vmul.f32 v18, v15;
	s17 =	sor.u32 s11, s0;
	s0 =	sor.u32 s11, s29;
	s29 =	rddreg [dreg:$0x9];
	[tilespmem:s3+$0x0] =	vst v30  }
0x133: {  	s16 =	sor.u32 s11, s16;
	v24 =	vadd.f32 v16, v56;
	s1 =	rddreg [dreg:$0xe];
	s13 =	sor.u32 s11, s25;
	v20 =	vadd.f32 v16, v42;
	[tilespmem:s10+$0x0] =	vst v17  }
0x134: {  	v26 =	vadd.f32 v16, v58;
	v18 =	vadd.f32 v16, v18;
	s11 =	sor.u32 s11, s23;
	s23 =	sld [smem:$0x7F1];
	s15 =	smov.u32 s20;
	[tilespmem:s16+$0x0] =	vst v31  }
0x135: {  	v27 =	vadd.f32 v16, v59;
	s25 =	rddreg [dreg:$0x5];
	v22 =	vadd.f32 v16, v45;
	s19 =	sadd.s32 $0x40, s15;
	[tilespmem:s17+$0x0] =	vst v20  }
0x136: {  	s2 =	rddreg [dreg:$0x6];
	v23 =	vadd.f32 v16, v43;
	v17 =	vadd.f32 v16, v44;
	v16 =	vld [tilespmem:s19+$0x0];
	[tilespmem:s18+$0x0] =	vst v21  }
0x137: {  	s7 =	rddreg [dreg:$0x15];
	s18 =	sadd.s32 $0x40, s25;
	[tilespmem:s5+$0x0] =	vst v24  }
0x138: {  	s20 =	sld [smem:$0x7F2];
	v19 =	vld [tilespmem:s18+$0x0];
	[tilespmem:s9+$0x0] =	vst v25  }
0x139: {  	s30 =	rddreg [dreg:$0xa];
	[tilespmem:s8+$0x0] =	vst v23  }
0x13a: {  	s12 =	rddreg [dreg:$0x19];
	[tilespmem:s6+$0x0] =	vst v26  }
0x13b: {  	s21 =	rddreg [dreg:$0x17];
	v20 =	vmul.f32 v16, v0;
	[tilespmem:s13+$0x0] =	vst v17  }
0x13c: {  	s3 =	rddreg [dreg:$0xf];
	v17 =	vmul.f32 v16, v1;
	[tilespmem:s28+$0x0] =	vst v27  }
0x13d: {  	s31 =	rddreg [dreg:$0xb];
	v21 =	vmul.f32 v16, v2;
	v20 =	vadd.f32 v19, v20;
	[tilespmem:s0+$0x0] =	vst v22  }
.Ltmp1:
0x13e: {  	s28 =	rddreg [dreg:$0x8];
	v17 =	vadd.f32 v19, v17;
	v22 =	vmul.f32 v16, v3;
	[tilespmem:s11+$0x0] =	vst v18;
	(pc) =	sbr.rel @p0 .LBB2_5-.Ltmp1, $4  }
0x13f: {  	s16 =	rddreg [dreg:$0x11];
	[tilespmem:s28+$0x0] =	vst v20;
	v18 =	vadd.f32 v19, v21  }
0x140: {  	s17 =	sld [smem:$0x7F3];
	v20 =	vmul.f32 v16, v4;
	[tilespmem:s29+$0x0] =	vst v17;
	v17 =	vadd.f32 v19, v22;
	v22 =	vmul.f32 v16, v5  }
0x141: {  	s9 =	rddreg [dreg:$0xd];
	v21 =	vmul.f32 v16, v6;
	[tilespmem:s30+$0x0] =	vst v18  }
0x142: {  	s6 =	rddreg [dreg:$0x1b];
	s0 =	sadd.s32 $0x40, s26;
	v20 =	vadd.f32 v19, v20;
	v18 =	vmul.f32 v16, v7;
	[tilespmem:s31+$0x0] =	vst v17;
	v17 =	vadd.f32 v19, v22  }
0x143: {  	_ = 	snop  }
0x144: {  	v0 =	vadd.f32 v19, v21;
	v1 =	vmul.f32 v16, v8;
	[tilespmem:s7+$0x0] =	vst v20  }
0x145: {  	v3 =	vmul.f32 v16, v9;
	v2 =	vadd.f32 v19, v18;
	[tilespmem:s3+$0x0] =	vst v17  }
0x146: {  	v51 =	vmul.f32 v16, v10;
	v50 =	vadd.f32 v19, v1;
	[tilespmem:s9+$0x0] =	vst v0  }
0x147: {  	v53 =	vmul.f32 v16, v11;
	v52 =	vadd.f32 v19, v3;
	[tilespmem:s16+$0x0] =	vst v2  }
0x148: {  	v55 =	vmul.f32 v16, v12;
	v54 =	vadd.f32 v19, v51;
	[tilespmem:s12+$0x0] =	vst v50  }
0x149: {  	v57 =	vmul.f32 v16, v13;
	v56 =	vadd.f32 v19, v53;
	[tilespmem:s1+$0x0] =	vst v52  }
0x14a: {  	v58 =	vadd.f32 v19, v55;
	[tilespmem:s21+$0x0] =	vst v54  }
0x14b: {  	v59 =	vmul.f32 v16, v14;
	v60 =	vadd.f32 v19, v57;
	[tilespmem:s20+$0x0] =	vst v56  }
0x14c: {  	v61 =	vmul.f32 v16, v15;
	[tilespmem:s23+$0x0] =	vst v58  }
0x14d: {  	v62 =	vadd.f32 v19, v59;
	[tilespmem:s24+$0x0] =	vst v60  }
0x14e: {  	v63 =	vadd.f32 v19, v61;
	s0 =	sld [smem:$0x7FB]  }
0x14f: {  	s1 =	sld [smem:$0x7F4];
	[tilespmem:s17+$0x0] =	vst v62  }
0x150: {  	[tilespmem:s6+$0x0] =	vst v63  }
0x151: {  	s31 =	sld [smem:$0x7F8];
	_ =	sdelay $0x2  }
0x152: {  	s0 =	sadd.s32 s0, s1;
	s1 =	sadd.s32 $0x1, s31  }
0x153: {  	p0 =	sne.s32 s1, $0x10  }
.Ltmp2:
0x154: {  	_ = 	snop;
	(pc) =	sbr.rel @p0 .LBB2_2-.Ltmp2, $4  }
0x155: {  	_ = 	snop  }
0x156: {  	s29 =	rddreg [dreg:$0x3];
	s0 =	sshll.u32 s0, $0x8  }
0x157: {  	s30 =	simm.s32 $0x0;
	s2 =	simm.s32 $0x9200;
	s0 =	sadd.s32 s29, s0  }
0x158: {  	[hbm4b:s0+s30] =	stream.linear.scatter [tilespmem:s2], [sflag:$0x2], $0x8000, $0x38;
	[tilespmem:$0x11200] =	vst v63  }
0x159: {  	s3 =	simm.s32 $0x1  }
0x15a: {  	_ =	swait.ge [sflag:s3], $0x8000  }
0x15b: {  	[sflag:s3] =	ssyncset.done $0x0  }
0x15c: {  	s4 =	simm.s32 $0x2;
	[sflag:s3] =	ssyncadd.s32 $0xFFFF8000  }
0x15d: {  	_ =	swait.ge [sflag:s4], $0x8000  }
0x15e: {  	s1 =	sld [smem:$0x7FA]  }
0x15f: {  	s0 =	sld [smem:$0x7FD];
	_ =	sdelay $0x1  }
0x160: {  	s1 =	sadd.s32 $0x1, s1  }
0x161: {  	p0 =	sne.s32 s1, s0  }
.Ltmp3:
0x162: {  	_ = 	snop;
	(pc) =	sbr.rel @p0 .LBB2_1-.Ltmp3, $3  }
0x163: {  	_ =	sdelay $0x1  }
0x164: {  	[sflag:s4] =	ssyncset.done $0x0  }
0x165: {  	[sflag:s4] =	ssyncadd.s32 $0xFFFF8000  }
0x166: {  	_ =	sfence.sel $0x180000  }
0x167: {  	[bflag:$0x0] =	sbarrier.arrive $0xFFFF  }
0x168: {  	_ =	strace $0x90000047  }
0x169: {  	s0 =	stileid.u32;
	[bflag:$0x2] =	sbarrier.arrive $0xFFFF  }
0x16a: {  	p0 =	sne.s32 s0, $0x0;
	s0 =	rddreg [dreg:$0x4]  }
0x16b: {  	s0 =	sadd.s32 @!p0 $0x100000, s0  }
0x16c: {  	[sflag:s0] =	ssyncadd.tile.s32 @!p0 $0x1;
	_ =	shalt  }
.Lfunc_end2:
_tile_overlayer_lowered:
.L_overlay_start_2:
0x16d: {  	(tag) =	ssettag $0x2  }
0x16e: {  	s0 =	rddreg [dreg:$0x0];
	s2 =	stileid.u32  }
0x16f: {  	s1 =	rddreg [dreg:$0x1];
	p0 =	sne.s32 s2, $0x0  }
0x170: {  	s3 =	rddreg [dreg:$0x2];
	[bflag:$0x3] =	sbarrier.arrive $0xFFFF;
	s2 =	simm.s32 @!p0 $0x1C03  }
0x171: {  	[timem:s3], [sflag:s2] =	dma.local @!p0 [hbm:s0], s1  }
0x172: {  	s0 =	simm.s32 @!p0 $0x3  }
0x173: {  	_ =	swait.ge @!p0 [sflag:s0], s1  }
0x174: {  	s1 =	ssub.s32 @!p0 $0x0, s1;
	[sflag:s0] =	ssyncset.done @!p0 $0x0  }
0x175: {  	[sflag:s0] =	ssyncadd.s32 @!p0 s1  }
0x176: {  	[bflag:$0x3] =	sbarrier.arrive $0xFFFF  }
0x177: {  	_ =	shalt  }

</sc_bundles>
